<compile_context>
chip_gen: v7x
topology: tpu7x:2x2x1
jax: 0.10.2.dev20260603
libtpu: 0.0.44.dev20260713+nightly
codegen_flags: <defaults>
</compile_context>

<pallas_src>
import functools

import jax
import jax.numpy as jnp
from jax import lax
from jax.experimental import pallas as pl
from jax.experimental.pallas import tpu as pltpu
from jax.experimental.pallas import tpu_sc as plsc

T = 26
V = 100000
D = 16
B = 4096
BAG = 20

NC = 2
NS = 16
TPC = T // NC
CHUNK = 256
NCHUNK = B // CHUNK
GRP = CHUNK // 16


def _sc_body(idx_hbm, tab_hbm, out_hbm, idxt_hbm, chunk_v, tbuf_v, buf_v,
             ichunk_v, out_v, sem):
    c = lax.axis_index("c")
    s = lax.axis_index("s")
    lanes = lax.iota(jnp.int32, 16)
    stride20 = lanes * BAG

    def p0_table(k, carry):
        t = k * NC + c
        pltpu.sync_copy(
            idx_hbm.at[pl.ds(t * (B * BAG) + s * (CHUNK * BAG), CHUNK * BAG)],
            chunk_v,
        )

        def p0_grp(g, cy):
            base = g * (16 * BAG)
            for i in range(BAG):
                v = plsc.load_gather(chunk_v, [stride20 + (base + i)])
                tbuf_v[i, pl.ds(g * 16, 16)] = v
            return cy

        lax.fori_loop(0, GRP, p0_grp, 0)
        pltpu.sync_copy(tbuf_v, idxt_hbm.at[t, :, pl.ds(s * CHUNK, CHUNK)])
        return carry

    lax.fori_loop(0, TPC, p0_table, 0)
    plsc.subcore_barrier()

    def p1_item(k, carry):
        t = k * NC + c
        pass

        def p1_chunk(cb, cy):
            pltpu.sync_copy(idxt_hbm.at[t, :, pl.ds(cb * CHUNK, CHUNK)],
                            ichunk_v)

            def p1_grp(g, cz):
                acc = jnp.zeros((16,), jnp.float32)
                for i in range(BAG):
                    iv = ichunk_v[i, pl.ds(g * 16, 16)]
                    acc = acc + plsc.load_gather(buf_v, [iv])
                out_v[pl.ds(cb * CHUNK + g * 16, 16)] = acc
                return cz

            lax.fori_loop(0, GRP, p1_grp, 0)
            return cy

        lax.fori_loop(0, NCHUNK, p1_chunk, 0)
        pltpu.sync_copy(out_v, out_hbm.at[t * D + s])
        return carry

    lax.fori_loop(0, TPC, p1_item, 0)


@jax.jit
def kernel(indices, offsets, tables):
    del offsets
    tab_t = jnp.transpose(tables, (0, 2, 1))

    mesh = plsc.VectorSubcoreMesh(core_axis_name="c", subcore_axis_name="s")
    run = functools.partial(
        pl.kernel,
        mesh=mesh,
        out_type=(
            jax.ShapeDtypeStruct((T * D, B), jnp.float32),
            jax.ShapeDtypeStruct((T, BAG, B), jnp.int32),
        ),
        scratch_types=[
            pltpu.VMEM((CHUNK * BAG,), jnp.int32),
            pltpu.VMEM((BAG, CHUNK), jnp.int32),
            pltpu.VMEM((V,), jnp.float32),
            pltpu.VMEM((BAG, CHUNK), jnp.int32),
            pltpu.VMEM((B,), jnp.float32),
            pltpu.SemaphoreType.DMA,
        ],
        compiler_params=pltpu.CompilerParams(needs_layout_passes=False),
    )(_sc_body)
    out_t, _ = run(indices, tab_t)
    return out_t.T

# --- scband reference (transcript-rebuilt; emitter-appended) ---
"""Pipeline reference for scband-table-batch-embedding-module-27152783245443 (READ-ONLY COPY).

The authoritative reference and input builder live on the scoring server;
editing this copy changes nothing except your own understanding.
"""

import jax, jax.numpy as jnp
import numpy as np

NUM_TABLES = 26
NUM_EMBEDDINGS = 100000
EMBEDDING_DIM = 16
BATCH_SIZE = 4096
BAG_SIZE = 20


def setup_inputs(seed: int = 0) -> dict:
    key = jax.random.key(seed)
    k1, k2 = jax.random.split(key)
    indices = jax.random.randint(k1, (NUM_TABLES * BATCH_SIZE * BAG_SIZE,), 0, NUM_EMBEDDINGS, dtype=jnp.int32)
    # EmbeddingBag offsets: bag i starts at offsets[i]; uniform bags of size BAG_SIZE
    offsets = jnp.arange(BATCH_SIZE, dtype=jnp.int32) * BAG_SIZE
    # One embedding table per field: [T, V, D]
    tables = jax.random.normal(k2, (NUM_TABLES, NUM_EMBEDDINGS, EMBEDDING_DIM), dtype=jnp.float32) * 0.02
    return {"indices": indices, "offsets": offsets, "tables": tables}


def reference(indices, offsets, tables):
    # indices_list = indices.view(T, B, BAG)
    idx = indices.reshape(NUM_TABLES, BATCH_SIZE, BAG_SIZE)
    n = BATCH_SIZE * BAG_SIZE
    pos = jnp.arange(n, dtype=offsets.dtype)
    # map each flat position to its bag via offsets (faithful EmbeddingBag semantics)
    seg = jnp.searchsorted(offsets, pos, side='right') - 1
    outs = []
    for i in range(NUM_TABLES):
        flat = idx[i].reshape(-1)
        emb = jnp.take(tables[i], flat, axis=0)  # gather: [B*BAG, D]
        bag = jax.ops.segment_sum(emb, seg, num_segments=BATCH_SIZE)  # mode='sum'
        outs.append(bag.reshape(BATCH_SIZE, -1))
    return jnp.concatenate(outs, axis=1)  # [B, T*D]

if __name__ == "__main__":
    import jax
    _d = setup_inputs()
    print(jax.jit(kernel)(*tuple(_d.values())))

</pallas_src>

<mosaic_0001>
#map = affine_map<(d0, d1) -> (0)>
#map1 = affine_map<(d0, d1) -> (0, 0, 0)>
#map2 = affine_map<(d0, d1) -> (0, 0)>
module attributes {stable_mosaic.version = 14 : i64} {
  func.func @_sc_body(%arg0: i32, %arg1: i32, %arg2: memref<2129920xi32, #tpu.memory_space<hbm>>, %arg3: memref<26x16x100000xf32, #tpu.memory_space<hbm>>, %arg4: memref<416x4096xf32, #tpu.memory_space<hbm>>, %arg5: memref<26x20x4096xi32, #tpu.memory_space<hbm>>, %arg6: memref<5120xi32, #tpu.memory_space<vmem>>, %arg7: memref<20x256xi32, #tpu.memory_space<vmem>>, %arg8: memref<100000xf32, #tpu.memory_space<vmem>>, %arg9: memref<20x256xi32, #tpu.memory_space<vmem>>, %arg10: memref<4096xf32, #tpu.memory_space<vmem>>, %arg11: memref<!tpu.dma_semaphore, #tpu.memory_space<semaphore_mem>>) attributes {dimension_semantics = [#tpu.dimension_semantics<core_parallel>, #tpu.dimension_semantics<subcore_parallel>], iteration_bounds = array<i64: 2, 16>, scalar_prefetch = 0 : i64, scratch_operands = 6 : i64, tpu.core_type = #tpu.core_type<sc_vector_subcore>, window_params = [{transform_indices = #map}, {transform_indices = #map1}, {transform_indices = #map2}, {transform_indices = #map1}]} {
    %iota3A = tpu.iota {dimensions = array<i32: 0>} : vector<16xi32>
    %mul3A = arith.constant 20 : i32
    %mul3A_0 = vector.broadcast %mul3A : i32 to vector<16xi32>
    %mul3A_1 = arith.muli %iota3A, %mul3A_0 : vector<16xi32>
    %scan3A = arith.constant 0 : i32
    %scan3A_2 = arith.constant 0 : i32
    %scan3A_3 = arith.constant 13 : i32
    %scan3A_4 = arith.addi %scan3A_2, %scan3A_3 : i32
    %scan3A_5 = arith.constant 1 : i32
    scf.for %scan3A_13 = %scan3A_2 to %scan3A_4 step %scan3A_5  : i32 {
      %mul3A_14 = arith.constant 2 : i32
      %mul3A_15 = arith.muli %scan3A_13, %mul3A_14 : i32
      %add3A = arith.addi %mul3A_15, %arg0 : i32
      %mul3A_16 = arith.constant 81920 : i32
      %mul3A_17 = arith.muli %add3A, %mul3A_16 : i32
      %mul3A_18 = arith.constant 5120 : i32
      %mul3A_19 = arith.muli %arg1, %mul3A_18 : i32
      %add3A_20 = arith.addi %mul3A_17, %mul3A_19 : i32
      "tpu.region"() ({
        %run_scoped3A = tpu.sem_alloc : memref<!tpu.dma_semaphore, #tpu.memory_space<semaphore_mem>>
        %dma_start3A = tpu.memref_slice %arg2[%add3A_20] : memref<2129920xi32, #tpu.memory_space<hbm>> -> memref<5120xi32, #tpu.memory_space<hbm>>
        %dma_start3A_29 = tpu.memref_slice %arg2[%add3A_20] : memref<2129920xi32, #tpu.memory_space<hbm>> -> memref<5120xi32, #tpu.memory_space<hbm>>
        tpu.enqueue_dma source(%dma_start3A_29 : memref<5120xi32, #tpu.memory_space<hbm>>) target(%arg6 : memref<5120xi32, #tpu.memory_space<vmem>>) target_semaphore(%run_scoped3A : memref<!tpu.dma_semaphore, #tpu.memory_space<semaphore_mem>>)
        %dma_wait3A = tpu.memref_slice %arg2[%add3A_20] : memref<2129920xi32, #tpu.memory_space<hbm>> -> memref<5120xi32, #tpu.memory_space<hbm>>
        %dma_wait3A_30 = tpu.memref_slice %arg2[%add3A_20] : memref<2129920xi32, #tpu.memory_space<hbm>> -> memref<5120xi32, #tpu.memory_space<hbm>>
        tpu.wait_dma2 semaphore(%run_scoped3A : memref<!tpu.dma_semaphore, #tpu.memory_space<semaphore_mem>>) src(%dma_wait3A_30 : memref<5120xi32, #tpu.memory_space<hbm>>) dst(%arg6 : memref<5120xi32, #tpu.memory_space<vmem>>)
        tpu.yield
      }) : () -> ()
      %scan3A_21 = arith.constant 0 : i32
      %scan3A_22 = arith.constant 0 : i32
      %scan3A_23 = arith.constant 16 : i32
      %scan3A_24 = arith.addi %scan3A_22, %scan3A_23 : i32
      %scan3A_25 = arith.constant 1 : i32
      scf.for %scan3A_29 = %scan3A_22 to %scan3A_24 step %scan3A_25  : i32 {
        %mul3A_30 = arith.constant 320 : i32
        %mul3A_31 = arith.muli %scan3A_29, %mul3A_30 : i32
        %add3A_32 = arith.constant 0 : i32
        %add3A_33 = arith.addi %mul3A_31, %add3A_32 : i32
        %add3A_34 = vector.broadcast %add3A_33 : i32 to vector<16xi32>
        %add3A_35 = arith.addi %mul3A_1, %add3A_34 : vector<16xi32>
        %gather3A = tpu.vector_load_idx %arg6[%add3A_35] : memref<5120xi32, #tpu.memory_space<vmem>>[vector<16xi32>], vector<16xi32>,
        %mul3A_36 = arith.constant 16 : i32
        %mul3A_37 = arith.muli %scan3A_29, %mul3A_36 : i32
        %swap3A = arith.constant 0 : i32
        %swap3A_38 = arith.index_cast %swap3A : i32 to index
        %swap3A_39 = arith.index_cast %mul3A_37 : i32 to index
        %swap3A_40 = tpu.vector_load %arg7[%swap3A_38, %swap3A_39] {strides = array<i32>} : memref<20x256xi32, #tpu.memory_space<vmem>>, vector<16xi32>,
        tpu.vector_store %arg7[%swap3A_38, %swap3A_39], %gather3A {strides = array<i32>} : memref<20x256xi32, #tpu.memory_space<vmem>>, vector<16xi32>,
        %add3A_41 = arith.constant 1 : i32
        %add3A_42 = arith.addi %mul3A_31, %add3A_41 : i32
        %add3A_43 = vector.broadcast %add3A_42 : i32 to vector<16xi32>
        %add3A_44 = arith.addi %mul3A_1, %add3A_43 : vector<16xi32>
        %gather3A_45 = tpu.vector_load_idx %arg6[%add3A_44] : memref<5120xi32, #tpu.memory_space<vmem>>[vector<16xi32>], vector<16xi32>,
        %mul3A_46 = arith.constant 16 : i32
        %mul3A_47 = arith.muli %scan3A_29, %mul3A_46 : i32
        %swap3A_48 = arith.constant 1 : i32
        %swap3A_49 = arith.index_cast %swap3A_48 : i32 to index
        %swap3A_50 = arith.index_cast %mul3A_47 : i32 to index
        %swap3A_51 = tpu.vector_load %arg7[%swap3A_49, %swap3A_50] {strides = array<i32>} : memref<20x256xi32, #tpu.memory_space<vmem>>, vector<16xi32>,
        tpu.vector_store %arg7[%swap3A_49, %swap3A_50], %gather3A_45 {strides = array<i32>} : memref<20x256xi32, #tpu.memory_space<vmem>>, vector<16xi32>,
        %add3A_52 = arith.constant 2 : i32
        %add3A_53 = arith.addi %mul3A_31, %add3A_52 : i32
        %add3A_54 = vector.broadcast %add3A_53 : i32 to vector<16xi32>
        %add3A_55 = arith.addi %mul3A_1, %add3A_54 : vector<16xi32>
        %gather3A_56 = tpu.vector_load_idx %arg6[%add3A_55] : memref<5120xi32, #tpu.memory_space<vmem>>[vector<16xi32>], vector<16xi32>,
        %mul3A_57 = arith.constant 16 : i32
        %mul3A_58 = arith.muli %scan3A_29, %mul3A_57 : i32
        %swap3A_59 = arith.constant 2 : i32
        %swap3A_60 = arith.index_cast %swap3A_59 : i32 to index
        %swap3A_61 = arith.index_cast %mul3A_58 : i32 to index
        %swap3A_62 = tpu.vector_load %arg7[%swap3A_60, %swap3A_61] {strides = array<i32>} : memref<20x256xi32, #tpu.memory_space<vmem>>, vector<16xi32>,
        tpu.vector_store %arg7[%swap3A_60, %swap3A_61], %gather3A_56 {strides = array<i32>} : memref<20x256xi32, #tpu.memory_space<vmem>>, vector<16xi32>,
        %add3A_63 = arith.constant 3 : i32
        %add3A_64 = arith.addi %mul3A_31, %add3A_63 : i32
        %add3A_65 = vector.broadcast %add3A_64 : i32 to vector<16xi32>
        %add3A_66 = arith.addi %mul3A_1, %add3A_65 : vector<16xi32>
        %gather3A_67 = tpu.vector_load_idx %arg6[%add3A_66] : memref<5120xi32, #tpu.memory_space<vmem>>[vector<16xi32>], vector<16xi32>,
        %mul3A_68 = arith.constant 16 : i32
        %mul3A_69 = arith.muli %scan3A_29, %mul3A_68 : i32
        %swap3A_70 = arith.constant 3 : i32
        %swap3A_71 = arith.index_cast %swap3A_70 : i32 to index
        %swap3A_72 = arith.index_cast %mul3A_69 : i32 to index
        %swap3A_73 = tpu.vector_load %arg7[%swap3A_71, %swap3A_72] {strides = array<i32>} : memref<20x256xi32, #tpu.memory_space<vmem>>, vector<16xi32>,
        tpu.vector_store %arg7[%swap3A_71, %swap3A_72], %gather3A_67 {strides = array<i32>} : memref<20x256xi32, #tpu.memory_space<vmem>>, vector<16xi32>,
        %add3A_74 = arith.constant 4 : i32
        %add3A_75 = arith.addi %mul3A_31, %add3A_74 : i32
        %add3A_76 = vector.broadcast %add3A_75 : i32 to vector<16xi32>
        %add3A_77 = arith.addi %mul3A_1, %add3A_76 : vector<16xi32>
        %gather3A_78 = tpu.vector_load_idx %arg6[%add3A_77] : memref<5120xi32, #tpu.memory_space<vmem>>[vector<16xi32>], vector<16xi32>,
        %mul3A_79 = arith.constant 16 : i32
        %mul3A_80 = arith.muli %scan3A_29, %mul3A_79 : i32
        %swap3A_81 = arith.constant 4 : i32
        %swap3A_82 = arith.index_cast %swap3A_81 : i32 to index
        %swap3A_83 = arith.index_cast %mul3A_80 : i32 to index
        %swap3A_84 = tpu.vector_load %arg7[%swap3A_82, %swap3A_83] {strides = array<i32>} : memref<20x256xi32, #tpu.memory_space<vmem>>, vector<16xi32>,
        tpu.vector_store %arg7[%swap3A_82, %swap3A_83], %gather3A_78 {strides = array<i32>} : memref<20x256xi32, #tpu.memory_space<vmem>>, vector<16xi32>,
        %add3A_85 = arith.constant 5 : i32
        %add3A_86 = arith.addi %mul3A_31, %add3A_85 : i32
        %add3A_87 = vector.broadcast %add3A_86 : i32 to vector<16xi32>
        %add3A_88 = arith.addi %mul3A_1, %add3A_87 : vector<16xi32>
        %gather3A_89 = tpu.vector_load_idx %arg6[%add3A_88] : memref<5120xi32, #tpu.memory_space<vmem>>[vector<16xi32>], vector<16xi32>,
        %mul3A_90 = arith.constant 16 : i32
        %mul3A_91 = arith.muli %scan3A_29, %mul3A_90 : i32
        %swap3A_92 = arith.constant 5 : i32
        %swap3A_93 = arith.index_cast %swap3A_92 : i32 to index
        %swap3A_94 = arith.index_cast %mul3A_91 : i32 to index
        %swap3A_95 = tpu.vector_load %arg7[%swap3A_93, %swap3A_94] {strides = array<i32>} : memref<20x256xi32, #tpu.memory_space<vmem>>, vector<16xi32>,
        tpu.vector_store %arg7[%swap3A_93, %swap3A_94], %gather3A_89 {strides = array<i32>} : memref<20x256xi32, #tpu.memory_space<vmem>>, vector<16xi32>,
        %add3A_96 = arith.constant 6 : i32
        %add3A_97 = arith.addi %mul3A_31, %add3A_96 : i32
        %add3A_98 = vector.broadcast %add3A_97 : i32 to vector<16xi32>
        %add3A_99 = arith.addi %mul3A_1, %add3A_98 : vector<16xi32>
        %gather3A_100 = tpu.vector_load_idx %arg6[%add3A_99] : memref<5120xi32, #tpu.memory_space<vmem>>[vector<16xi32>], vector<16xi32>,
        %mul3A_101 = arith.constant 16 : i32
        %mul3A_102 = arith.muli %scan3A_29, %mul3A_101 : i32
        %swap3A_103 = arith.constant 6 : i32
        %swap3A_104 = arith.index_cast %swap3A_103 : i32 to index
        %swap3A_105 = arith.index_cast %mul3A_102 : i32 to index
        %swap3A_106 = tpu.vector_load %arg7[%swap3A_104, %swap3A_105] {strides = array<i32>} : memref<20x256xi32, #tpu.memory_space<vmem>>, vector<16xi32>,
        tpu.vector_store %arg7[%swap3A_104, %swap3A_105], %gather3A_100 {strides = array<i32>} : memref<20x256xi32, #tpu.memory_space<vmem>>, vector<16xi32>,
        %add3A_107 = arith.constant 7 : i32
        %add3A_108 = arith.addi %mul3A_31, %add3A_107 : i32
        %add3A_109 = vector.broadcast %add3A_108 : i32 to vector<16xi32>
        %add3A_110 = arith.addi %mul3A_1, %add3A_109 : vector<16xi32>
        %gather3A_111 = tpu.vector_load_idx %arg6[%add3A_110] : memref<5120xi32, #tpu.memory_space<vmem>>[vector<16xi32>], vector<16xi32>,
        %mul3A_112 = arith.constant 16 : i32
        %mul3A_113 = arith.muli %scan3A_29, %mul3A_112 : i32
        %swap3A_114 = arith.constant 7 : i32
        %swap3A_115 = arith.index_cast %swap3A_114 : i32 to index
        %swap3A_116 = arith.index_cast %mul3A_113 : i32 to index
        %swap3A_117 = tpu.vector_load %arg7[%swap3A_115, %swap3A_116] {strides = array<i32>} : memref<20x256xi32, #tpu.memory_space<vmem>>, vector<16xi32>,
        tpu.vector_store %arg7[%swap3A_115, %swap3A_116], %gather3A_111 {strides = array<i32>} : memref<20x256xi32, #tpu.memory_space<vmem>>, vector<16xi32>,
        %add3A_118 = arith.constant 8 : i32
        %add3A_119 = arith.addi %mul3A_31, %add3A_118 : i32
        %add3A_120 = vector.broadcast %add3A_119 : i32 to vector<16xi32>
        %add3A_121 = arith.addi %mul3A_1, %add3A_120 : vector<16xi32>
        %gather3A_122 = tpu.vector_load_idx %arg6[%add3A_121] : memref<5120xi32, #tpu.memory_space<vmem>>[vector<16xi32>], vector<16xi32>,
        %mul3A_123 = arith.constant 16 : i32
        %mul3A_124 = arith.muli %scan3A_29, %mul3A_123 : i32
        %swap3A_125 = arith.constant 8 : i32
        %swap3A_126 = arith.index_cast %swap3A_125 : i32 to index
        %swap3A_127 = arith.index_cast %mul3A_124 : i32 to index
        %swap3A_128 = tpu.vector_load %arg7[%swap3A_126, %swap3A_127] {strides = array<i32>} : memref<20x256xi32, #tpu.memory_space<vmem>>, vector<16xi32>,
        tpu.vector_store %arg7[%swap3A_126, %swap3A_127], %gather3A_122 {strides = array<i32>} : memref<20x256xi32, #tpu.memory_space<vmem>>, vector<16xi32>,
        %add3A_129 = arith.constant 9 : i32
        %add3A_130 = arith.addi %mul3A_31, %add3A_129 : i32
        %add3A_131 = vector.broadcast %add3A_130 : i32 to vector<16xi32>
        %add3A_132 = arith.addi %mul3A_1, %add3A_131 : vector<16xi32>
        %gather3A_133 = tpu.vector_load_idx %arg6[%add3A_132] : memref<5120xi32, #tpu.memory_space<vmem>>[vector<16xi32>], vector<16xi32>,
        %mul3A_134 = arith.constant 16 : i32
        %mul3A_135 = arith.muli %scan3A_29, %mul3A_134 : i32
        %swap3A_136 = arith.constant 9 : i32
        %swap3A_137 = arith.index_cast %swap3A_136 : i32 to index
        %swap3A_138 = arith.index_cast %mul3A_135 : i32 to index
        %swap3A_139 = tpu.vector_load %arg7[%swap3A_137, %swap3A_138] {strides = array<i32>} : memref<20x256xi32, #tpu.memory_space<vmem>>, vector<16xi32>,
        tpu.vector_store %arg7[%swap3A_137, %swap3A_138], %gather3A_133 {strides = array<i32>} : memref<20x256xi32, #tpu.memory_space<vmem>>, vector<16xi32>,
        %add3A_140 = arith.constant 10 : i32
        %add3A_141 = arith.addi %mul3A_31, %add3A_140 : i32
        %add3A_142 = vector.broadcast %add3A_141 : i32 to vector<16xi32>
        %add3A_143 = arith.addi %mul3A_1, %add3A_142 : vector<16xi32>
        %gather3A_144 = tpu.vector_load_idx %arg6[%add3A_143] : memref<5120xi32, #tpu.memory_space<vmem>>[vector<16xi32>], vector<16xi32>,
        %mul3A_145 = arith.constant 16 : i32
        %mul3A_146 = arith.muli %scan3A_29, %mul3A_145 : i32
        %swap3A_147 = arith.constant 10 : i32
        %swap3A_148 = arith.index_cast %swap3A_147 : i32 to index
        %swap3A_149 = arith.index_cast %mul3A_146 : i32 to index
        %swap3A_150 = tpu.vector_load %arg7[%swap3A_148, %swap3A_149] {strides = array<i32>} : memref<20x256xi32, #tpu.memory_space<vmem>>, vector<16xi32>,
        tpu.vector_store %arg7[%swap3A_148, %swap3A_149], %gather3A_144 {strides = array<i32>} : memref<20x256xi32, #tpu.memory_space<vmem>>, vector<16xi32>,
        %add3A_151 = arith.constant 11 : i32
        %add3A_152 = arith.addi %mul3A_31, %add3A_151 : i32
        %add3A_153 = vector.broadcast %add3A_152 : i32 to vector<16xi32>
        %add3A_154 = arith.addi %mul3A_1, %add3A_153 : vector<16xi32>
        %gather3A_155 = tpu.vector_load_idx %arg6[%add3A_154] : memref<5120xi32, #tpu.memory_space<vmem>>[vector<16xi32>], vector<16xi32>,
        %mul3A_156 = arith.constant 16 : i32
        %mul3A_157 = arith.muli %scan3A_29, %mul3A_156 : i32
        %swap3A_158 = arith.constant 11 : i32
        %swap3A_159 = arith.index_cast %swap3A_158 : i32 to index
        %swap3A_160 = arith.index_cast %mul3A_157 : i32 to index
        %swap3A_161 = tpu.vector_load %arg7[%swap3A_159, %swap3A_160] {strides = array<i32>} : memref<20x256xi32, #tpu.memory_space<vmem>>, vector<16xi32>,
        tpu.vector_store %arg7[%swap3A_159, %swap3A_160], %gather3A_155 {strides = array<i32>} : memref<20x256xi32, #tpu.memory_space<vmem>>, vector<16xi32>,
        %add3A_162 = arith.constant 12 : i32
        %add3A_163 = arith.addi %mul3A_31, %add3A_162 : i32
        %add3A_164 = vector.broadcast %add3A_163 : i32 to vector<16xi32>
        %add3A_165 = arith.addi %mul3A_1, %add3A_164 : vector<16xi32>
        %gather3A_166 = tpu.vector_load_idx %arg6[%add3A_165] : memref<5120xi32, #tpu.memory_space<vmem>>[vector<16xi32>], vector<16xi32>,
        %mul3A_167 = arith.constant 16 : i32
        %mul3A_168 = arith.muli %scan3A_29, %mul3A_167 : i32
        %swap3A_169 = arith.constant 12 : i32
        %swap3A_170 = arith.index_cast %swap3A_169 : i32 to index
        %swap3A_171 = arith.index_cast %mul3A_168 : i32 to index
        %swap3A_172 = tpu.vector_load %arg7[%swap3A_170, %swap3A_171] {strides = array<i32>} : memref<20x256xi32, #tpu.memory_space<vmem>>, vector<16xi32>,
        tpu.vector_store %arg7[%swap3A_170, %swap3A_171], %gather3A_166 {strides = array<i32>} : memref<20x256xi32, #tpu.memory_space<vmem>>, vector<16xi32>,
        %add3A_173 = arith.constant 13 : i32
        %add3A_174 = arith.addi %mul3A_31, %add3A_173 : i32
        %add3A_175 = vector.broadcast %add3A_174 : i32 to vector<16xi32>
        %add3A_176 = arith.addi %mul3A_1, %add3A_175 : vector<16xi32>
        %gather3A_177 = tpu.vector_load_idx %arg6[%add3A_176] : memref<5120xi32, #tpu.memory_space<vmem>>[vector<16xi32>], vector<16xi32>,
        %mul3A_178 = arith.constant 16 : i32
        %mul3A_179 = arith.muli %scan3A_29, %mul3A_178 : i32
        %swap3A_180 = arith.constant 13 : i32
        %swap3A_181 = arith.index_cast %swap3A_180 : i32 to index
        %swap3A_182 = arith.index_cast %mul3A_179 : i32 to index
        %swap3A_183 = tpu.vector_load %arg7[%swap3A_181, %swap3A_182] {strides = array<i32>} : memref<20x256xi32, #tpu.memory_space<vmem>>, vector<16xi32>,
        tpu.vector_store %arg7[%swap3A_181, %swap3A_182], %gather3A_177 {strides = array<i32>} : memref<20x256xi32, #tpu.memory_space<vmem>>, vector<16xi32>,
        %add3A_184 = arith.constant 14 : i32
        %add3A_185 = arith.addi %mul3A_31, %add3A_184 : i32
        %add3A_186 = vector.broadcast %add3A_185 : i32 to vector<16xi32>
        %add3A_187 = arith.addi %mul3A_1, %add3A_186 : vector<16xi32>
        %gather3A_188 = tpu.vector_load_idx %arg6[%add3A_187] : memref<5120xi32, #tpu.memory_space<vmem>>[vector<16xi32>], vector<16xi32>,
        %mul3A_189 = arith.constant 16 : i32
        %mul3A_190 = arith.muli %scan3A_29, %mul3A_189 : i32
        %swap3A_191 = arith.constant 14 : i32
        %swap3A_192 = arith.index_cast %swap3A_191 : i32 to index
        %swap3A_193 = arith.index_cast %mul3A_190 : i32 to index
        %swap3A_194 = tpu.vector_load %arg7[%swap3A_192, %swap3A_193] {strides = array<i32>} : memref<20x256xi32, #tpu.memory_space<vmem>>, vector<16xi32>,
        tpu.vector_store %arg7[%swap3A_192, %swap3A_193], %gather3A_188 {strides = array<i32>} : memref<20x256xi32, #tpu.memory_space<vmem>>, vector<16xi32>,
        %add3A_195 = arith.constant 15 : i32
        %add3A_196 = arith.addi %mul3A_31, %add3A_195 : i32
        %add3A_197 = vector.broadcast %add3A_196 : i32 to vector<16xi32>
        %add3A_198 = arith.addi %mul3A_1, %add3A_197 : vector<16xi32>
        %gather3A_199 = tpu.vector_load_idx %arg6[%add3A_198] : memref<5120xi32, #tpu.memory_space<vmem>>[vector<16xi32>], vector<16xi32>,
        %mul3A_200 = arith.constant 16 : i32
        %mul3A_201 = arith.muli %scan3A_29, %mul3A_200 : i32
        %swap3A_202 = arith.constant 15 : i32
        %swap3A_203 = arith.index_cast %swap3A_202 : i32 to index
        %swap3A_204 = arith.index_cast %mul3A_201 : i32 to index
        %swap3A_205 = tpu.vector_load %arg7[%swap3A_203, %swap3A_204] {strides = array<i32>} : memref<20x256xi32, #tpu.memory_space<vmem>>, vector<16xi32>,
        tpu.vector_store %arg7[%swap3A_203, %swap3A_204], %gather3A_199 {strides = array<i32>} : memref<20x256xi32, #tpu.memory_space<vmem>>, vector<16xi32>,
        %add3A_206 = arith.constant 16 : i32
        %add3A_207 = arith.addi %mul3A_31, %add3A_206 : i32
        %add3A_208 = vector.broadcast %add3A_207 : i32 to vector<16xi32>
        %add3A_209 = arith.addi %mul3A_1, %add3A_208 : vector<16xi32>
        %gather3A_210 = tpu.vector_load_idx %arg6[%add3A_209] : memref<5120xi32, #tpu.memory_space<vmem>>[vector<16xi32>], vector<16xi32>,
        %mul3A_211 = arith.constant 16 : i32
        %mul3A_212 = arith.muli %scan3A_29, %mul3A_211 : i32
        %swap3A_213 = arith.constant 16 : i32
        %swap3A_214 = arith.index_cast %swap3A_213 : i32 to index
        %swap3A_215 = arith.index_cast %mul3A_212 : i32 to index
        %swap3A_216 = tpu.vector_load %arg7[%swap3A_214, %swap3A_215] {strides = array<i32>} : memref<20x256xi32, #tpu.memory_space<vmem>>, vector<16xi32>,
        tpu.vector_store %arg7[%swap3A_214, %swap3A_215], %gather3A_210 {strides = array<i32>} : memref<20x256xi32, #tpu.memory_space<vmem>>, vector<16xi32>,
        %add3A_217 = arith.constant 17 : i32
        %add3A_218 = arith.addi %mul3A_31, %add3A_217 : i32
        %add3A_219 = vector.broadcast %add3A_218 : i32 to vector<16xi32>
        %add3A_220 = arith.addi %mul3A_1, %add3A_219 : vector<16xi32>
        %gather3A_221 = tpu.vector_load_idx %arg6[%add3A_220] : memref<5120xi32, #tpu.memory_space<vmem>>[vector<16xi32>], vector<16xi32>,
        %mul3A_222 = arith.constant 16 : i32
        %mul3A_223 = arith.muli %scan3A_29, %mul3A_222 : i32
        %swap3A_224 = arith.constant 17 : i32
        %swap3A_225 = arith.index_cast %swap3A_224 : i32 to index
        %swap3A_226 = arith.index_cast %mul3A_223 : i32 to index
        %swap3A_227 = tpu.vector_load %arg7[%swap3A_225, %swap3A_226] {strides = array<i32>} : memref<20x256xi32, #tpu.memory_space<vmem>>, vector<16xi32>,
        tpu.vector_store %arg7[%swap3A_225, %swap3A_226], %gather3A_221 {strides = array<i32>} : memref<20x256xi32, #tpu.memory_space<vmem>>, vector<16xi32>,
        %add3A_228 = arith.constant 18 : i32
        %add3A_229 = arith.addi %mul3A_31, %add3A_228 : i32
        %add3A_230 = vector.broadcast %add3A_229 : i32 to vector<16xi32>
        %add3A_231 = arith.addi %mul3A_1, %add3A_230 : vector<16xi32>
        %gather3A_232 = tpu.vector_load_idx %arg6[%add3A_231] : memref<5120xi32, #tpu.memory_space<vmem>>[vector<16xi32>], vector<16xi32>,
        %mul3A_233 = arith.constant 16 : i32
        %mul3A_234 = arith.muli %scan3A_29, %mul3A_233 : i32
        %swap3A_235 = arith.constant 18 : i32
        %swap3A_236 = arith.index_cast %swap3A_235 : i32 to index
        %swap3A_237 = arith.index_cast %mul3A_234 : i32 to index
        %swap3A_238 = tpu.vector_load %arg7[%swap3A_236, %swap3A_237] {strides = array<i32>} : memref<20x256xi32, #tpu.memory_space<vmem>>, vector<16xi32>,
        tpu.vector_store %arg7[%swap3A_236, %swap3A_237], %gather3A_232 {strides = array<i32>} : memref<20x256xi32, #tpu.memory_space<vmem>>, vector<16xi32>,
        %add3A_239 = arith.constant 19 : i32
        %add3A_240 = arith.addi %mul3A_31, %add3A_239 : i32
        %add3A_241 = vector.broadcast %add3A_240 : i32 to vector<16xi32>
        %add3A_242 = arith.addi %mul3A_1, %add3A_241 : vector<16xi32>
        %gather3A_243 = tpu.vector_load_idx %arg6[%add3A_242] : memref<5120xi32, #tpu.memory_space<vmem>>[vector<16xi32>], vector<16xi32>,
        %mul3A_244 = arith.constant 16 : i32
        %mul3A_245 = arith.muli %scan3A_29, %mul3A_244 : i32
        %swap3A_246 = arith.constant 19 : i32
        %swap3A_247 = arith.index_cast %swap3A_246 : i32 to index
        %swap3A_248 = arith.index_cast %mul3A_245 : i32 to index
        %swap3A_249 = tpu.vector_load %arg7[%swap3A_247, %swap3A_248] {strides = array<i32>} : memref<20x256xi32, #tpu.memory_space<vmem>>, vector<16xi32>,
        tpu.vector_store %arg7[%swap3A_247, %swap3A_248], %gather3A_243 {strides = array<i32>} : memref<20x256xi32, #tpu.memory_space<vmem>>, vector<16xi32>,
      }
      %scan3A_26 = arith.constant 16 : i32
      %mul3A_27 = arith.constant 256 : i32
      %mul3A_28 = arith.muli %arg1, %mul3A_27 : i32
      "tpu.region"() ({
        %run_scoped3A = tpu.sem_alloc : memref<!tpu.dma_semaphore, #tpu.memory_space<semaphore_mem>>
        %dma_start3A = arith.constant 0 : i32
        %dma_start3A_29 = tpu.memref_slice %arg5[%add3A, %dma_start3A, %mul3A_28] : memref<26x20x4096xi32, #tpu.memory_space<hbm>> -> memref<1x20x256xi32, #tpu.memory_space<hbm>>
        %dma_start3A_30 = tpu.memref_squeeze %dma_start3A_29 : memref<1x20x256xi32, #tpu.memory_space<hbm>> -> memref<20x256xi32, #tpu.memory_space<hbm>>
        %dma_start3A_31 = arith.constant 0 : i32
        %dma_start3A_32 = tpu.memref_slice %arg5[%add3A, %dma_start3A_31, %mul3A_28] : memref<26x20x4096xi32, #tpu.memory_space<hbm>> -> memref<1x20x256xi32, #tpu.memory_space<hbm>>
        %dma_start3A_33 = tpu.memref_squeeze %dma_start3A_32 : memref<1x20x256xi32, #tpu.memory_space<hbm>> -> memref<20x256xi32, #tpu.memory_space<hbm>>
        tpu.enqueue_dma source(%arg7 : memref<20x256xi32, #tpu.memory_space<vmem>>) target(%dma_start3A_33 : memref<20x256xi32, #tpu.memory_space<hbm>>) target_semaphore(%run_scoped3A : memref<!tpu.dma_semaphore, #tpu.memory_space<semaphore_mem>>)
        %dma_wait3A = arith.constant 0 : i32
        %dma_wait3A_34 = tpu.memref_slice %arg5[%add3A, %dma_wait3A, %mul3A_28] : memref<26x20x4096xi32, #tpu.memory_space<hbm>> -> memref<1x20x256xi32, #tpu.memory_space<hbm>>
        %dma_wait3A_35 = tpu.memref_squeeze %dma_wait3A_34 : memref<1x20x256xi32, #tpu.memory_space<hbm>> -> memref<20x256xi32, #tpu.memory_space<hbm>>
        %dma_wait3A_36 = arith.constant 0 : i32
        %dma_wait3A_37 = tpu.memref_slice %arg5[%add3A, %dma_wait3A_36, %mul3A_28] : memref<26x20x4096xi32, #tpu.memory_space<hbm>> -> memref<1x20x256xi32, #tpu.memory_space<hbm>>
        %dma_wait3A_38 = tpu.memref_squeeze %dma_wait3A_37 : memref<1x20x256xi32, #tpu.memory_space<hbm>> -> memref<20x256xi32, #tpu.memory_space<hbm>>
        tpu.wait_dma2 semaphore(%run_scoped3A : memref<!tpu.dma_semaphore, #tpu.memory_space<semaphore_mem>>) src(%arg7 : memref<20x256xi32, #tpu.memory_space<vmem>>) dst(%dma_wait3A_38 : memref<20x256xi32, #tpu.memory_space<hbm>>)
        tpu.yield
      }) : () -> ()
    }
    %scan3A_6 = arith.constant 13 : i32
    %barrier3A = arith.constant 0 : index
    tpu.barrier barrier_id(%barrier3A)
    %scan3A_7 = arith.constant 0 : i32
    %scan3A_8 = arith.constant 0 : i32
    %scan3A_9 = arith.constant 13 : i32
    %scan3A_10 = arith.addi %scan3A_8, %scan3A_9 : i32
    %scan3A_11 = arith.constant 1 : i32
    scf.for %scan3A_13 = %scan3A_8 to %scan3A_10 step %scan3A_11  : i32 {
      %mul3A_14 = arith.constant 2 : i32
      %mul3A_15 = arith.muli %scan3A_13, %mul3A_14 : i32
      %add3A = arith.addi %mul3A_15, %arg0 : i32
      %scan3A_16 = arith.constant 0 : i32
      %scan3A_17 = arith.constant 0 : i32
      %scan3A_18 = arith.constant 16 : i32
      %scan3A_19 = arith.addi %scan3A_17, %scan3A_18 : i32
      %scan3A_20 = arith.constant 1 : i32
      scf.for %scan3A_25 = %scan3A_17 to %scan3A_19 step %scan3A_20  : i32 {
        %mul3A_26 = arith.constant 256 : i32
        %mul3A_27 = arith.muli %scan3A_25, %mul3A_26 : i32
        "tpu.region"() ({
          %run_scoped3A = tpu.sem_alloc : memref<!tpu.dma_semaphore, #tpu.memory_space<semaphore_mem>>
          %dma_start3A = arith.constant 0 : i32
          %dma_start3A_34 = tpu.memref_slice %arg5[%add3A, %dma_start3A, %mul3A_27] : memref<26x20x4096xi32, #tpu.memory_space<hbm>> -> memref<1x20x256xi32, #tpu.memory_space<hbm>>
          %dma_start3A_35 = tpu.memref_squeeze %dma_start3A_34 : memref<1x20x256xi32, #tpu.memory_space<hbm>> -> memref<20x256xi32, #tpu.memory_space<hbm>>
          %dma_start3A_36 = arith.constant 0 : i32
          %dma_start3A_37 = tpu.memref_slice %arg5[%add3A, %dma_start3A_36, %mul3A_27] : memref<26x20x4096xi32, #tpu.memory_space<hbm>> -> memref<1x20x256xi32, #tpu.memory_space<hbm>>
          %dma_start3A_38 = tpu.memref_squeeze %dma_start3A_37 : memref<1x20x256xi32, #tpu.memory_space<hbm>> -> memref<20x256xi32, #tpu.memory_space<hbm>>
          tpu.enqueue_dma source(%dma_start3A_38 : memref<20x256xi32, #tpu.memory_space<hbm>>) target(%arg9 : memref<20x256xi32, #tpu.memory_space<vmem>>) target_semaphore(%run_scoped3A : memref<!tpu.dma_semaphore, #tpu.memory_space<semaphore_mem>>)
          %dma_wait3A = arith.constant 0 : i32
          %dma_wait3A_39 = tpu.memref_slice %arg5[%add3A, %dma_wait3A, %mul3A_27] : memref<26x20x4096xi32, #tpu.memory_space<hbm>> -> memref<1x20x256xi32, #tpu.memory_space<hbm>>
          %dma_wait3A_40 = tpu.memref_squeeze %dma_wait3A_39 : memref<1x20x256xi32, #tpu.memory_space<hbm>> -> memref<20x256xi32, #tpu.memory_space<hbm>>
          %dma_wait3A_41 = arith.constant 0 : i32
          %dma_wait3A_42 = tpu.memref_slice %arg5[%add3A, %dma_wait3A_41, %mul3A_27] : memref<26x20x4096xi32, #tpu.memory_space<hbm>> -> memref<1x20x256xi32, #tpu.memory_space<hbm>>
          %dma_wait3A_43 = tpu.memref_squeeze %dma_wait3A_42 : memref<1x20x256xi32, #tpu.memory_space<hbm>> -> memref<20x256xi32, #tpu.memory_space<hbm>>
          tpu.wait_dma2 semaphore(%run_scoped3A : memref<!tpu.dma_semaphore, #tpu.memory_space<semaphore_mem>>) src(%dma_wait3A_43 : memref<20x256xi32, #tpu.memory_space<hbm>>) dst(%arg9 : memref<20x256xi32, #tpu.memory_space<vmem>>)
          tpu.yield
        }) : () -> ()
        %scan3A_28 = arith.constant 0 : i32
        %scan3A_29 = arith.constant 0 : i32
        %scan3A_30 = arith.constant 16 : i32
        %scan3A_31 = arith.addi %scan3A_29, %scan3A_30 : i32
        %scan3A_32 = arith.constant 1 : i32
        scf.for %scan3A_34 = %scan3A_29 to %scan3A_31 step %scan3A_32  : i32 {
          %broadcast_in_dim3A = arith.constant 0.000000e+00 : f32
          %broadcast_in_dim3A_35 = vector.broadcast %broadcast_in_dim3A : f32 to vector<16xf32>
          %mul3A_36 = arith.constant 16 : i32
          %mul3A_37 = arith.muli %scan3A_34, %mul3A_36 : i32
          %get3A = arith.constant 0 : i32
          %get3A_38 = arith.index_cast %get3A : i32 to index
          %get3A_39 = arith.index_cast %mul3A_37 : i32 to index
          %get3A_40 = tpu.vector_load %arg9[%get3A_38, %get3A_39] {strides = array<i32>} : memref<20x256xi32, #tpu.memory_space<vmem>>, vector<16xi32>,
          %gather3A = tpu.vector_load_idx %arg8[%get3A_40] : memref<100000xf32, #tpu.memory_space<vmem>>[vector<16xi32>], vector<16xf32>,
          %add3A_41 = arith.addf %broadcast_in_dim3A_35, %gather3A : vector<16xf32>
          %mul3A_42 = arith.constant 16 : i32
          %mul3A_43 = arith.muli %scan3A_34, %mul3A_42 : i32
          %get3A_44 = arith.constant 1 : i32
          %get3A_45 = arith.index_cast %get3A_44 : i32 to index
          %get3A_46 = arith.index_cast %mul3A_43 : i32 to index
          %get3A_47 = tpu.vector_load %arg9[%get3A_45, %get3A_46] {strides = array<i32>} : memref<20x256xi32, #tpu.memory_space<vmem>>, vector<16xi32>,
          %gather3A_48 = tpu.vector_load_idx %arg8[%get3A_47] : memref<100000xf32, #tpu.memory_space<vmem>>[vector<16xi32>], vector<16xf32>,
          %add3A_49 = arith.addf %add3A_41, %gather3A_48 : vector<16xf32>
          %mul3A_50 = arith.constant 16 : i32
          %mul3A_51 = arith.muli %scan3A_34, %mul3A_50 : i32
          %get3A_52 = arith.constant 2 : i32
          %get3A_53 = arith.index_cast %get3A_52 : i32 to index
          %get3A_54 = arith.index_cast %mul3A_51 : i32 to index
          %get3A_55 = tpu.vector_load %arg9[%get3A_53, %get3A_54] {strides = array<i32>} : memref<20x256xi32, #tpu.memory_space<vmem>>, vector<16xi32>,
          %gather3A_56 = tpu.vector_load_idx %arg8[%get3A_55] : memref<100000xf32, #tpu.memory_space<vmem>>[vector<16xi32>], vector<16xf32>,
          %add3A_57 = arith.addf %add3A_49, %gather3A_56 : vector<16xf32>
          %mul3A_58 = arith.constant 16 : i32
          %mul3A_59 = arith.muli %scan3A_34, %mul3A_58 : i32
          %get3A_60 = arith.constant 3 : i32
          %get3A_61 = arith.index_cast %get3A_60 : i32 to index
          %get3A_62 = arith.index_cast %mul3A_59 : i32 to index
          %get3A_63 = tpu.vector_load %arg9[%get3A_61, %get3A_62] {strides = array<i32>} : memref<20x256xi32, #tpu.memory_space<vmem>>, vector<16xi32>,
          %gather3A_64 = tpu.vector_load_idx %arg8[%get3A_63] : memref<100000xf32, #tpu.memory_space<vmem>>[vector<16xi32>], vector<16xf32>,
          %add3A_65 = arith.addf %add3A_57, %gather3A_64 : vector<16xf32>
          %mul3A_66 = arith.constant 16 : i32
          %mul3A_67 = arith.muli %scan3A_34, %mul3A_66 : i32
          %get3A_68 = arith.constant 4 : i32
          %get3A_69 = arith.index_cast %get3A_68 : i32 to index
          %get3A_70 = arith.index_cast %mul3A_67 : i32 to index
          %get3A_71 = tpu.vector_load %arg9[%get3A_69, %get3A_70] {strides = array<i32>} : memref<20x256xi32, #tpu.memory_space<vmem>>, vector<16xi32>,
          %gather3A_72 = tpu.vector_load_idx %arg8[%get3A_71] : memref<100000xf32, #tpu.memory_space<vmem>>[vector<16xi32>], vector<16xf32>,
          %add3A_73 = arith.addf %add3A_65, %gather3A_72 : vector<16xf32>
          %mul3A_74 = arith.constant 16 : i32
          %mul3A_75 = arith.muli %scan3A_34, %mul3A_74 : i32
          %get3A_76 = arith.constant 5 : i32
          %get3A_77 = arith.index_cast %get3A_76 : i32 to index
          %get3A_78 = arith.index_cast %mul3A_75 : i32 to index
          %get3A_79 = tpu.vector_load %arg9[%get3A_77, %get3A_78] {strides = array<i32>} : memref<20x256xi32, #tpu.memory_space<vmem>>, vector<16xi32>,
          %gather3A_80 = tpu.vector_load_idx %arg8[%get3A_79] : memref<100000xf32, #tpu.memory_space<vmem>>[vector<16xi32>], vector<16xf32>,
          %add3A_81 = arith.addf %add3A_73, %gather3A_80 : vector<16xf32>
          %mul3A_82 = arith.constant 16 : i32
          %mul3A_83 = arith.muli %scan3A_34, %mul3A_82 : i32
          %get3A_84 = arith.constant 6 : i32
          %get3A_85 = arith.index_cast %get3A_84 : i32 to index
          %get3A_86 = arith.index_cast %mul3A_83 : i32 to index
          %get3A_87 = tpu.vector_load %arg9[%get3A_85, %get3A_86] {strides = array<i32>} : memref<20x256xi32, #tpu.memory_space<vmem>>, vector<16xi32>,
          %gather3A_88 = tpu.vector_load_idx %arg8[%get3A_87] : memref<100000xf32, #tpu.memory_space<vmem>>[vector<16xi32>], vector<16xf32>,
          %add3A_89 = arith.addf %add3A_81, %gather3A_88 : vector<16xf32>
          %mul3A_90 = arith.constant 16 : i32
          %mul3A_91 = arith.muli %scan3A_34, %mul3A_90 : i32
          %get3A_92 = arith.constant 7 : i32
          %get3A_93 = arith.index_cast %get3A_92 : i32 to index
          %get3A_94 = arith.index_cast %mul3A_91 : i32 to index
          %get3A_95 = tpu.vector_load %arg9[%get3A_93, %get3A_94] {strides = array<i32>} : memref<20x256xi32, #tpu.memory_space<vmem>>, vector<16xi32>,
          %gather3A_96 = tpu.vector_load_idx %arg8[%get3A_95] : memref<100000xf32, #tpu.memory_space<vmem>>[vector<16xi32>], vector<16xf32>,
          %add3A_97 = arith.addf %add3A_89, %gather3A_96 : vector<16xf32>
          %mul3A_98 = arith.constant 16 : i32
          %mul3A_99 = arith.muli %scan3A_34, %mul3A_98 : i32
          %get3A_100 = arith.constant 8 : i32
          %get3A_101 = arith.index_cast %get3A_100 : i32 to index
          %get3A_102 = arith.index_cast %mul3A_99 : i32 to index
          %get3A_103 = tpu.vector_load %arg9[%get3A_101, %get3A_102] {strides = array<i32>} : memref<20x256xi32, #tpu.memory_space<vmem>>, vector<16xi32>,
          %gather3A_104 = tpu.vector_load_idx %arg8[%get3A_103] : memref<100000xf32, #tpu.memory_space<vmem>>[vector<16xi32>], vector<16xf32>,
          %add3A_105 = arith.addf %add3A_97, %gather3A_104 : vector<16xf32>
          %mul3A_106 = arith.constant 16 : i32
          %mul3A_107 = arith.muli %scan3A_34, %mul3A_106 : i32
          %get3A_108 = arith.constant 9 : i32
          %get3A_109 = arith.index_cast %get3A_108 : i32 to index
          %get3A_110 = arith.index_cast %mul3A_107 : i32 to index
          %get3A_111 = tpu.vector_load %arg9[%get3A_109, %get3A_110] {strides = array<i32>} : memref<20x256xi32, #tpu.memory_space<vmem>>, vector<16xi32>,
          %gather3A_112 = tpu.vector_load_idx %arg8[%get3A_111] : memref<100000xf32, #tpu.memory_space<vmem>>[vector<16xi32>], vector<16xf32>,
          %add3A_113 = arith.addf %add3A_105, %gather3A_112 : vector<16xf32>
          %mul3A_114 = arith.constant 16 : i32
          %mul3A_115 = arith.muli %scan3A_34, %mul3A_114 : i32
          %get3A_116 = arith.constant 10 : i32
          %get3A_117 = arith.index_cast %get3A_116 : i32 to index
          %get3A_118 = arith.index_cast %mul3A_115 : i32 to index
          %get3A_119 = tpu.vector_load %arg9[%get3A_117, %get3A_118] {strides = array<i32>} : memref<20x256xi32, #tpu.memory_space<vmem>>, vector<16xi32>,
          %gather3A_120 = tpu.vector_load_idx %arg8[%get3A_119] : memref<100000xf32, #tpu.memory_space<vmem>>[vector<16xi32>], vector<16xf32>,
          %add3A_121 = arith.addf %add3A_113, %gather3A_120 : vector<16xf32>
          %mul3A_122 = arith.constant 16 : i32
          %mul3A_123 = arith.muli %scan3A_34, %mul3A_122 : i32
          %get3A_124 = arith.constant 11 : i32
          %get3A_125 = arith.index_cast %get3A_124 : i32 to index
          %get3A_126 = arith.index_cast %mul3A_123 : i32 to index
          %get3A_127 = tpu.vector_load %arg9[%get3A_125, %get3A_126] {strides = array<i32>} : memref<20x256xi32, #tpu.memory_space<vmem>>, vector<16xi32>,
          %gather3A_128 = tpu.vector_load_idx %arg8[%get3A_127] : memref<100000xf32, #tpu.memory_space<vmem>>[vector<16xi32>], vector<16xf32>,
          %add3A_129 = arith.addf %add3A_121, %gather3A_128 : vector<16xf32>
          %mul3A_130 = arith.constant 16 : i32
          %mul3A_131 = arith.muli %scan3A_34, %mul3A_130 : i32
          %get3A_132 = arith.constant 12 : i32
          %get3A_133 = arith.index_cast %get3A_132 : i32 to index
          %get3A_134 = arith.index_cast %mul3A_131 : i32 to index
          %get3A_135 = tpu.vector_load %arg9[%get3A_133, %get3A_134] {strides = array<i32>} : memref<20x256xi32, #tpu.memory_space<vmem>>, vector<16xi32>,
          %gather3A_136 = tpu.vector_load_idx %arg8[%get3A_135] : memref<100000xf32, #tpu.memory_space<vmem>>[vector<16xi32>], vector<16xf32>,
          %add3A_137 = arith.addf %add3A_129, %gather3A_136 : vector<16xf32>
          %mul3A_138 = arith.constant 16 : i32
          %mul3A_139 = arith.muli %scan3A_34, %mul3A_138 : i32
          %get3A_140 = arith.constant 13 : i32
          %get3A_141 = arith.index_cast %get3A_140 : i32 to index
          %get3A_142 = arith.index_cast %mul3A_139 : i32 to index
          %get3A_143 = tpu.vector_load %arg9[%get3A_141, %get3A_142] {strides = array<i32>} : memref<20x256xi32, #tpu.memory_space<vmem>>, vector<16xi32>,
          %gather3A_144 = tpu.vector_load_idx %arg8[%get3A_143] : memref<100000xf32, #tpu.memory_space<vmem>>[vector<16xi32>], vector<16xf32>,
          %add3A_145 = arith.addf %add3A_137, %gather3A_144 : vector<16xf32>
          %mul3A_146 = arith.constant 16 : i32
          %mul3A_147 = arith.muli %scan3A_34, %mul3A_146 : i32
          %get3A_148 = arith.constant 14 : i32
          %get3A_149 = arith.index_cast %get3A_148 : i32 to index
          %get3A_150 = arith.index_cast %mul3A_147 : i32 to index
          %get3A_151 = tpu.vector_load %arg9[%get3A_149, %get3A_150] {strides = array<i32>} : memref<20x256xi32, #tpu.memory_space<vmem>>, vector<16xi32>,
          %gather3A_152 = tpu.vector_load_idx %arg8[%get3A_151] : memref<100000xf32, #tpu.memory_space<vmem>>[vector<16xi32>], vector<16xf32>,
          %add3A_153 = arith.addf %add3A_145, %gather3A_152 : vector<16xf32>
          %mul3A_154 = arith.constant 16 : i32
          %mul3A_155 = arith.muli %scan3A_34, %mul3A_154 : i32
          %get3A_156 = arith.constant 15 : i32
          %get3A_157 = arith.index_cast %get3A_156 : i32 to index
          %get3A_158 = arith.index_cast %mul3A_155 : i32 to index
          %get3A_159 = tpu.vector_load %arg9[%get3A_157, %get3A_158] {strides = array<i32>} : memref<20x256xi32, #tpu.memory_space<vmem>>, vector<16xi32>,
          %gather3A_160 = tpu.vector_load_idx %arg8[%get3A_159] : memref<100000xf32, #tpu.memory_space<vmem>>[vector<16xi32>], vector<16xf32>,
          %add3A_161 = arith.addf %add3A_153, %gather3A_160 : vector<16xf32>
          %mul3A_162 = arith.constant 16 : i32
          %mul3A_163 = arith.muli %scan3A_34, %mul3A_162 : i32
          %get3A_164 = arith.constant 16 : i32
          %get3A_165 = arith.index_cast %get3A_164 : i32 to index
          %get3A_166 = arith.index_cast %mul3A_163 : i32 to index
          %get3A_167 = tpu.vector_load %arg9[%get3A_165, %get3A_166] {strides = array<i32>} : memref<20x256xi32, #tpu.memory_space<vmem>>, vector<16xi32>,
          %gather3A_168 = tpu.vector_load_idx %arg8[%get3A_167] : memref<100000xf32, #tpu.memory_space<vmem>>[vector<16xi32>], vector<16xf32>,
          %add3A_169 = arith.addf %add3A_161, %gather3A_168 : vector<16xf32>
          %mul3A_170 = arith.constant 16 : i32
          %mul3A_171 = arith.muli %scan3A_34, %mul3A_170 : i32
          %get3A_172 = arith.constant 17 : i32
          %get3A_173 = arith.index_cast %get3A_172 : i32 to index
          %get3A_174 = arith.index_cast %mul3A_171 : i32 to index
          %get3A_175 = tpu.vector_load %arg9[%get3A_173, %get3A_174] {strides = array<i32>} : memref<20x256xi32, #tpu.memory_space<vmem>>, vector<16xi32>,
          %gather3A_176 = tpu.vector_load_idx %arg8[%get3A_175] : memref<100000xf32, #tpu.memory_space<vmem>>[vector<16xi32>], vector<16xf32>,
          %add3A_177 = arith.addf %add3A_169, %gather3A_176 : vector<16xf32>
          %mul3A_178 = arith.constant 16 : i32
          %mul3A_179 = arith.muli %scan3A_34, %mul3A_178 : i32
          %get3A_180 = arith.constant 18 : i32
          %get3A_181 = arith.index_cast %get3A_180 : i32 to index
          %get3A_182 = arith.index_cast %mul3A_179 : i32 to index
          %get3A_183 = tpu.vector_load %arg9[%get3A_181, %get3A_182] {strides = array<i32>} : memref<20x256xi32, #tpu.memory_space<vmem>>, vector<16xi32>,
          %gather3A_184 = tpu.vector_load_idx %arg8[%get3A_183] : memref<100000xf32, #tpu.memory_space<vmem>>[vector<16xi32>], vector<16xf32>,
          %add3A_185 = arith.addf %add3A_177, %gather3A_184 : vector<16xf32>
          %mul3A_186 = arith.constant 16 : i32
          %mul3A_187 = arith.muli %scan3A_34, %mul3A_186 : i32
          %get3A_188 = arith.constant 19 : i32
          %get3A_189 = arith.index_cast %get3A_188 : i32 to index
          %get3A_190 = arith.index_cast %mul3A_187 : i32 to index
          %get3A_191 = tpu.vector_load %arg9[%get3A_189, %get3A_190] {strides = array<i32>} : memref<20x256xi32, #tpu.memory_space<vmem>>, vector<16xi32>,
          %gather3A_192 = tpu.vector_load_idx %arg8[%get3A_191] : memref<100000xf32, #tpu.memory_space<vmem>>[vector<16xi32>], vector<16xf32>,
          %add3A_193 = arith.addf %add3A_185, %gather3A_192 : vector<16xf32>
          %mul3A_194 = arith.constant 256 : i32
          %mul3A_195 = arith.muli %scan3A_25, %mul3A_194 : i32
          %mul3A_196 = arith.constant 16 : i32
          %mul3A_197 = arith.muli %scan3A_34, %mul3A_196 : i32
          %add3A_198 = arith.addi %mul3A_195, %mul3A_197 : i32
          %swap3A = arith.index_cast %add3A_198 : i32 to index
          %swap3A_199 = tpu.vector_load %arg10[%swap3A] {strides = array<i32>} : memref<4096xf32, #tpu.memory_space<vmem>>, vector<16xf32>,
          tpu.vector_store %arg10[%swap3A], %add3A_193 {strides = array<i32>} : memref<4096xf32, #tpu.memory_space<vmem>>, vector<16xf32>,
        }
        %scan3A_33 = arith.constant 16 : i32
      }
      %scan3A_21 = arith.constant 16 : i32
      %mul3A_22 = arith.constant 16 : i32
      %mul3A_23 = arith.muli %add3A, %mul3A_22 : i32
      %add3A_24 = arith.addi %mul3A_23, %arg1 : i32
      "tpu.region"() ({
        %run_scoped3A = tpu.sem_alloc : memref<!tpu.dma_semaphore, #tpu.memory_space<semaphore_mem>>
        %dma_start3A = arith.constant 0 : i32
        %dma_start3A_25 = tpu.memref_slice %arg4[%add3A_24, %dma_start3A] : memref<416x4096xf32, #tpu.memory_space<hbm>> -> memref<1x4096xf32, #tpu.memory_space<hbm>>
        %dma_start3A_26 = tpu.memref_squeeze %dma_start3A_25 : memref<1x4096xf32, #tpu.memory_space<hbm>> -> memref<4096xf32, #tpu.memory_space<hbm>>
        %dma_start3A_27 = arith.constant 0 : i32
        %dma_start3A_28 = tpu.memref_slice %arg4[%add3A_24, %dma_start3A_27] : memref<416x4096xf32, #tpu.memory_space<hbm>> -> memref<1x4096xf32, #tpu.memory_space<hbm>>
        %dma_start3A_29 = tpu.memref_squeeze %dma_start3A_28 : memref<1x4096xf32, #tpu.memory_space<hbm>> -> memref<4096xf32, #tpu.memory_space<hbm>>
        tpu.enqueue_dma source(%arg10 : memref<4096xf32, #tpu.memory_space<vmem>>) target(%dma_start3A_29 : memref<4096xf32, #tpu.memory_space<hbm>>) target_semaphore(%run_scoped3A : memref<!tpu.dma_semaphore, #tpu.memory_space<semaphore_mem>>)
        %dma_wait3A = arith.constant 0 : i32
        %dma_wait3A_30 = tpu.memref_slice %arg4[%add3A_24, %dma_wait3A] : memref<416x4096xf32, #tpu.memory_space<hbm>> -> memref<1x4096xf32, #tpu.memory_space<hbm>>
        %dma_wait3A_31 = tpu.memref_squeeze %dma_wait3A_30 : memref<1x4096xf32, #tpu.memory_space<hbm>> -> memref<4096xf32, #tpu.memory_space<hbm>>
        %dma_wait3A_32 = arith.constant 0 : i32
        %dma_wait3A_33 = tpu.memref_slice %arg4[%add3A_24, %dma_wait3A_32] : memref<416x4096xf32, #tpu.memory_space<hbm>> -> memref<1x4096xf32, #tpu.memory_space<hbm>>
        %dma_wait3A_34 = tpu.memref_squeeze %dma_wait3A_33 : memref<1x4096xf32, #tpu.memory_space<hbm>> -> memref<4096xf32, #tpu.memory_space<hbm>>
        tpu.wait_dma2 semaphore(%run_scoped3A : memref<!tpu.dma_semaphore, #tpu.memory_space<semaphore_mem>>) src(%arg10 : memref<4096xf32, #tpu.memory_space<vmem>>) dst(%dma_wait3A_34 : memref<4096xf32, #tpu.memory_space<hbm>>)
        tpu.yield
      }) : () -> ()
    }
    %scan3A_12 = arith.constant 13 : i32
    return
  }
}

</mosaic_0001>

<sc_bundles>
// kernel: kernel.3.cloned.1.call-start
scs
__scs_entry_jumppad:
0x0: {  	(pc) =	sbr.rel $0x88, $3  }
0x1: {  	(tag) =	ssettag $0x0;
	lr =	simm.s32 $0x1  }
0x2: {  	[smem:$0x3F9F] =	sst lr;
	_ =	strace $0xD0000000  }
0x3: {  	_ = 	snop  }
0x4: {  	_ = 	snop  }
0x5: {  	_ = 	snop  }
0x6: {  	_ = 	snop  }
0x7: {  	_ = 	snop  }
__scs_overlays_trampoline_lowered:
0x8: {  	[smem:$0x3FAE] =	sst s0  }
0x9: {  	[smem:$0x3FAF] =	sst s1  }
0xa: {  	[smem:$0x3FB0] =	sst s2  }
0xb: {  	[smem:$0x3FB1] =	sst s3  }
0xc: {  	[smem:$0x3FB2] =	sst s4  }
0xd: {  	[smem:$0x3FB3] =	sst s5  }
0xe: {  	[smem:$0x3FB4] =	sst s6  }
0xf: {  	[smem:$0x3FB5] =	sst s7  }
0x10: {  	[smem:$0x3FB6] =	sst s8  }
0x11: {  	[smem:$0x3FB7] =	sst s9;
	s0 =	simm.s32 @!p0 $0x0  }
0x12: {  	s1 =	sld [smem:$0x3F9D];
	s0 =	simm.s32 @p0 $0x1  }
0x13: {  	[smem:$0x3FB8] =	sst s0;
	s0 =	simm.s32 @!p1 $0x0  }
0x14: {  	s2 =	sld [smem:$0x3F9C];
	s0 =	simm.s32 @p1 $0x1  }
0x15: {  	[smem:$0x3FB9] =	sst s0;
	s0 =	simm.s32 @!p2 $0x0  }
0x16: {  	s3 =	sld [smem:$0x3FDB];
	s0 =	simm.s32 @p2 $0x1  }
0x17: {  	s4 =	simm.s32 $0x1BF5;
	[smem:$0x3FBB] =	sst s0  }
0x18: {  	s0 =	sld [smem:$0x3F9E];
	_ =	swait.ge [sflag:s4], $0x0  }
0x19: {  	s7 =	sld [smem:$0x3F9F]  }
0x1a: {  	s8 =	sadd.s32 $0xFFFFE003, lr  }
0x1b: {  	s9 =	sadd.s32 $0xFFFFFEF7, lr;
	s5 =	simm.s32 $0xFFFFFFFF;
	p2 =	slt.u32 s8, $0xFFFFF086  }
0x1c: {  	p1 =	slt.u32 s9, $0xF7A;
	s5 =	simm.s32 @!p2 $0x0  }
0x1d: {  	s5 =	simm.s32 @p1 $0x1;
	p0 =	seq.s32 s7, s2  }
0x1e: {  	s7 =	smul.u32 @!p0 $0xF7A, s2;
	p2 =	seq.s32 @!p0 s5, $0x0  }
0x1f: {  	s9 =	smul.u32 $0xF7A, s1;
	s8 =	simm.s32 @!p0 $0x1BF5;
	p2 =	por !p2, p0  }
0x20: {  	[sflag:s8] =	ssyncset.s32 @!p0 $0xFFFFF086;
	s6 =	sadd.s32 @!p0 s3, s7;
	s7 =	simm.s32 @!p0 $0x108  }
0x21: {  	s3 =	sadd.s32 s3, s9;
	s6 =	sadd.s32 @!p0 $0x88, s6;
	s7 =	simm.s32 @p2 $0x1082  }
0x22: {  	[simem:s7], [sflag:s8] =	dma.local @!p0 [hbm:s6], $0xF7A  }
0x23: {  	s9 =	sor.u32 $0xD0000000, s2;
	s6 =	simm.s32 $0x108;
	_ =	swait.ge @!p0 [sflag:s8], $0x0  }
0x24: {  	s3 =	sadd.s32 $0x88, s3;
	s6 =	simm.s32 @!p1 $0x1082;
	[sflag:s4] =	ssyncset.s32 $0xFFFFF086  }
0x25: {  	[simem:s6], [sflag:s4] =	dma.local [hbm:s3], $0xF7A  }
0x26: {  	[smem:$0x3F9F] =	sst s1;
	(tag) =	ssettag s2;
	_ =	strace s9  }
0x27: {  	s1 =	sld [smem:$0x3FAF]  }
0x28: {  	s2 =	sld [smem:$0x3FB0]  }
0x29: {  	s4 =	sld [smem:$0x3FB2]  }
0x2a: {  	p0 =	seq.s32 s5, $0x0;
	s5 =	sld [smem:$0x3FB3]  }
0x2b: {  	s6 =	sld [smem:$0x3FB4]  }
0x2c: {  	s7 =	sld [smem:$0x3FB5]  }
0x2d: {  	s3 =	simm.s32 $0x108;
	s8 =	sld [smem:$0x3FB6]  }
0x2e: {  	s3 =	simm.s32 @!p0 $0x1082;
	s9 =	sld [smem:$0x3FB7]  }
0x2f: {  	lr =	sadd.s32 s0, s3;
	s0 =	sld [smem:$0x3FAE]  }
0x30: {  	s3 =	sld [smem:$0x3FB1]  }
0x31: {  	[smem:$0x3FBA] =	sst s10  }
0x32: {  	s10 =	sld [smem:$0x3FB8];
	_ =	sdelay $0x3  }
0x33: {  	p0 =	seq.s32 s10, $0x1;
	s10 =	sld [smem:$0x3FBA];
	_ =	sdelay $0x3  }
0x34: {  	[smem:$0x3FBA] =	sst s10  }
0x35: {  	s10 =	sld [smem:$0x3FB9];
	_ =	sdelay $0x3  }
0x36: {  	p1 =	seq.s32 s10, $0x1;
	s10 =	sld [smem:$0x3FBA];
	_ =	sdelay $0x3  }
0x37: {  	[smem:$0x3FBA] =	sst s10  }
0x38: {  	s10 =	sld [smem:$0x3FBB]  }
0x39: {  	_ = 	snop;
	(pc) =	sbr.ind lr, $3  }
0x3a: {  	_ = 	snop  }
0x3b: {  	_ = 	snop  }
0x3c: {  	p2 =	seq.s32 s10, $0x1;
	s10 =	sld [smem:$0x3FBA]  }
0x3d: {  	_ =	shalt  }
0x3e: {  	_ =	shalt  }
0x3f: {  	_ =	shalt  }
0x40: {  	_ =	shalt  }
0x41: {  	_ =	shalt  }
0x42: {  	_ =	shalt  }
0x43: {  	_ =	shalt  }
0x44: {  	_ =	shalt  }
0x45: {  	_ =	shalt  }
0x46: {  	_ =	shalt  }
0x47: {  	_ =	shalt  }
0x48: {  	_ =	shalt  }
0x49: {  	_ =	shalt  }
0x4a: {  	_ =	shalt  }
0x4b: {  	_ =	shalt  }
0x4c: {  	_ =	shalt  }
0x4d: {  	_ =	shalt  }
0x4e: {  	_ =	shalt  }
0x4f: {  	_ =	shalt  }
0x50: {  	_ =	shalt  }
0x51: {  	_ =	shalt  }
0x52: {  	_ =	shalt  }
0x53: {  	_ =	shalt  }
0x54: {  	_ =	shalt  }
0x55: {  	_ =	shalt  }
0x56: {  	_ =	shalt  }
0x57: {  	_ =	shalt  }
0x58: {  	_ =	shalt  }
0x59: {  	_ =	shalt  }
0x5a: {  	_ =	shalt  }
0x5b: {  	_ =	shalt  }
0x5c: {  	_ =	shalt  }
0x5d: {  	_ =	shalt  }
0x5e: {  	_ =	shalt  }
0x5f: {  	_ =	shalt  }
0x60: {  	_ =	shalt  }
0x61: {  	_ =	shalt  }
0x62: {  	_ =	shalt  }
0x63: {  	_ =	shalt  }
0x64: {  	_ =	shalt  }
0x65: {  	_ =	shalt  }
0x66: {  	_ =	shalt  }
0x67: {  	_ =	shalt  }
0x68: {  	_ =	shalt  }
0x69: {  	_ =	shalt  }
0x6a: {  	_ =	shalt  }
0x6b: {  	_ =	shalt  }
0x6c: {  	_ =	shalt  }
0x6d: {  	_ =	shalt  }
0x6e: {  	_ =	shalt  }
0x6f: {  	_ =	shalt  }
0x70: {  	_ =	shalt  }
0x71: {  	_ =	shalt  }
0x72: {  	_ =	shalt  }
0x73: {  	_ =	shalt  }
0x74: {  	_ =	shalt  }
0x75: {  	_ =	shalt  }
0x76: {  	_ =	shalt  }
0x77: {  	_ =	shalt  }
0x78: {  	_ =	shalt  }
0x79: {  	_ =	shalt  }
0x7a: {  	_ =	shalt  }
0x7b: {  	_ =	shalt  }
0x7c: {  	_ =	shalt  }
0x7d: {  	_ =	shalt  }
0x7e: {  	_ =	shalt  }
0x7f: {  	_ =	shalt  }
0x80: {  	_ =	shalt  }
0x81: {  	_ =	shalt  }
0x82: {  	_ =	shalt  }
0x83: {  	_ =	shalt  }
0x84: {  	_ =	shalt  }
0x85: {  	_ =	shalt  }
0x86: {  	_ =	shalt  }
0x87: {  	_ =	shalt  }
.Lfunc_end0:
.L_simem_size_0:
called_computation_lowered:
.L_overlay_start_0:
0x88: {  	s2 =	sld [smem:$0x3FD9]  }
0x89: {  	s3 =	sld [smem:$0x3FFE];
	_ =	sdelay $0x1  }
0x8a: {  	s1 =	srdreg.scid  }
0x8b: {  	s0 =	sand.u32 $0x1, s1  }
0x8c: {  	s17 =	sshll.u32 s0, $0xA;
	s2 =	sadd.s32 s3, s2  }
0x8d: {  	s2 =	sadd.s32 s2, s17  }
0x8e: {  	[smem:$0x3FC6] =	sst s2  }
0x8f: {  	_ = 	snop  }
0x90: {  	s2 =	sld [smem:$0x3FC9]  }
0x91: {  	s18 =	sld [smem:$0x3FD0];
	(tm) =	ssettm $0x1  }
0x92: {  	s4 =	sld [smem:$0x3FFB];
	_ =	sdelay $0x3  }
0x93: {  	_ =	strace s4  }
0x94: {  	s4 =	sld [smem:$0x3FFC];
	_ =	sdelay $0x3  }
0x95: {  	_ =	strace s4  }
0x96: {  	s4 =	sld [smem:$0x3FFD];
	_ =	sdelay $0x3  }
0x97: {  	_ =	strace s4  }
0x98: {  	_ =	strace $0x8FFFFFFF  }
0x99: {  	s19 =	sld [smem:$0x3FDB];
	_ =	sdelay $0x1  }
0x9a: {  	s5 =	simm.s32 $_scs_section_size  }
0x9b: {  	s6 =	simm.s32 $_size__tile_overlayer_lowered;
	s7 =	simm.s32 $_tile_overlayer_lowered  }
0x9c: {  	s22 =	simm.s32 $0x1BFF;
	s21 =	sshll.u32 s7, $0x1;
	s4 =	sadd.s32 s5, s19  }
0x9d: {  	s8 =	simm.s32 $0x0;
	s20 =	sshll.u32 s6, $0x1;
	s6 =	sadd.s32 s21, s4  }
0x9e: {  	[timem:s8], [sflag:s22] =	dma.local [hbm:s6], s20  }
0x9f: {  	_ =	swait.ge [sflag:s22], s20  }
0xa0: {  	s5 =	ssub.s32 $0x0, s20;
	[sflag:s22] =	ssyncset.done $0x0  }
0xa1: {  	[sflag:s22] =	ssyncadd.s32 s5;
	_ =	sdelay $0x1  }
0xa2: {  	s23 =	simm.s32 $0x1B8B  }
0xa3: {  	_ =	swait.ge [sflag:s23], $0x1  }
0xa4: {  	[sflag:s23] =	ssyncset.done $0x0  }
0xa5: {  	s25 =	simm.s32 $0x1B8E;
	s24 =	sld [smem:$0x3FFE];
	[sflag:s23] =	ssyncadd.s32 $0xFFFFFFFF  }
0xa6: {  	s26 =	simm.s32 $execute0_lowered;
	[smem:$0x3FD2] =	sst s25  }
0xa7: {  	s6 =	sshll.u32 s26, $0x1;
	_ =	strace $0x80000046;
	[dreg:$0x1] =	wrdreg $0xFFFFFFFF  }
0xa8: {  	s28 =	simm.s32 $_size_execute0_lowered;
	s4 =	sadd.s32 s4, s6;
	[dreg:$0x0] =	wrdreg $0x0  }
0xa9: {  	s6 =	sshll.u32 s28, $0x1;
	[dreg:$0x2] =	wrdreg s4  }
0xaa: {  	[dreg:$0x3] =	wrdreg s6  }
0xab: {  	[dreg:$0x4] =	wrdreg $0xC0  }
0xac: {  	_ =	task [dreg:s8], $0x5FFFF  }
0xad: {  	[dreg:$0x1] =	wrdreg $0xFFFFFFFF  }
0xae: {  	[dreg:$0x0] =	wrdreg $0x60  }
0xaf: {  	[dreg:$0x2] =	wrdreg s2  }
0xb0: {  	[dreg:$0x3] =	wrdreg s18  }
0xb1: {  	[dreg:$0x4] =	wrdreg s24  }
0xb2: {  	[dreg:$0x5] =	wrdreg $0x9  }
0xb3: {  	_ =	task.clear_ibuf [dreg:s8], $0x6FFFF;
	_ =	strace $0x90000046  }
0xb4: {  	s29 =	simm.s32 $0x9;
	_ =	strace $0x80000048  }
0xb5: {  	_ =	swait.ge [sflag:s29], $0x1  }
0xb6: {  	[sflag:s29] =	ssyncadd.s32 $0xFFFFFFFF  }
0xb7: {  	_ =	strace $0x90000048  }
0xb8: {  	_ =	sfence  }
0xb9: {  	s30 =	sld [smem:$0x0];
	_ =	sdelay $0x2  }
0xba: {  	s31 =	sshll.u32 s1, $0xD;
	s1 =	sshrl.u32 s1, $0x2  }
0xbb: {  	s3 =	sand.u32 $0x4000, s31;
	s1 =	sadd.s32 s1, s30  }
0xbc: {  	s0 =	sor.u32 s3, s0;
	s1 =	sshll.u32 s1, $0x11  }
0xbd: {  	s0 =	sor.u32 s1, s0  }
0xbe: {  	s0 =	sadd.s32 $0x8F2B, s0  }
0xbf: {  	[sflag:s0] =	ssyncadd.remote.s32 $0x1  }
0xc0: {  	_ =	sfence.sel $0xFFFF  }
0xc1: {  	[dreg:$0x0] =	wrdreg $0xFFFFFFFF;
	(pc) =	sbr.abs _section_cstart, $3  }
0xc2: {  	[dreg:$0x1] =	wrdreg $0xFFFFFFFF  }
0xc3: {  	_ =	task.clear_ibuf [dreg:s8], $0x2FFFF;
	_ =	strace $0x9FFFFFFF  }
0xc4: {  	(tm) =	ssettm $0x7FFFFFFF  }
0xc5: {  	_ =	shalt  }
tec
execute0_lowered:
.L_overlay_start_1:
0x0: {  	(tag) =	ssettag $0x1  }
0x1: {  	s1 =	rddreg [dreg:$0x0]  }
0x2: {  	s8 =	rddreg [dreg:$0x1]  }
0x3: {  	s5 =	rddreg [dreg:$0x2];
	s3 =	srdreg.scid;
	s2 =	simm.s32 $0x0  }
0x4: {  	s12 =	simm.s32 $0x8000;
	s13 =	simm.s32 $0x1400;
	s14 =	simm.s32 $0x1B300  }
0x5: {  	s15 =	simm.s32 $0x2C00;
	s16 =	simm.s32 $0x80;
	s17 =	simm.s32 $0x400  }
0x6: {  	s18 =	simm.s32 $0x1CB00;
	s19 =	simm.s32 $0x0;
	s4 =	sand.u32 $0x1, s3  }
0x7: {  	[smem:$0x7FF] =	sst s2;
	s3 =	stileid.u32;
	s5 =	sadd.s32 $0x800, s5  }
0x8: {  	s6 =	ssub.s32 $0x2, s4;
	_ =	strace $0x80000047;
	s31 =	sshll.u32 s3, $0x9  }
0x9: {  	s11 =	sshll.u32 s3, $0x4;
	s7 =	sshrl.u32 s6, $0x1;
	s10 =	sand.u32 $0x1000, s31  }
0xa: {  	v0 =	vlaneseq.u32;
	s11 =	sand.u32 $0x70, s11;
	s9 =	ssub.s32 s6, s7;
	s6 =	smul.u32 $0x1400, s3  }
0xb: {  	v0 =	vmul.u32 $0x14, v0;
	s7 =	sshll.u32 s3, $0xB;
	s8 =	sadd.s32 s8, s10;
	s10 =	simm.s32 $0x1  }
0xc: {  	s8 =	sadd.s32 s11, s8;
	s9 =	smax.u32 s9, $0x1;
	s11 =	simm.s32 $0x800  }
.LBB2_1:
0xd: {  	s20 =	simm.s32 $0x0  }
.LBB2_2:
0xe: {  	s21 =	sshll.u32 s20, $0x1  }
0xf: {  	s21 =	sor.u32 s4, s21  }
0x10: {  	s22 =	smul.u32 $0x14000, s21;
	_ =	sdelay $0x1  }
0x11: {  	s22 =	sadd.s32 s6, s22  }
0x12: {  	s23 =	simm.s32 $0x0;
	s22 =	sshrl.u32 s22, $0x3  }
0x13: {  	v1 =	vadd.s32 s23, v0;
	s24 =	sadd.s32 s1, s22;
	s22 =	simm.s32 $0x0  }
0x14: {  	[tilespmem:s22], [sflag:$0x1] =	stream.linear.gather [hbm4b:s24+s22], $0x1400, $0x38;
	[tilespmem:$0x1DB00] =	vst v63  }
0x15: {  	_ =	swait.ge [sflag:s10], $0x1400  }
0x16: {  	[sflag:s10] =	ssyncset.done $0x0  }
0x17: {  	[sflag:s10] =	ssyncadd.s32 $0xFFFFEC00  }
0x18: {  	s26 =	simm.s32 $0x1;
	v1 =	vld.idx.msk [tilespmem:v1+s2+$0x0], $0xffff  }
0x19: {  	v2 =	vadd.s32 s26, v0;
	_ =	sdelay $0x1  }
0x1a: {  	s29 =	sand.u32 $0x70, s22;
	s30 =	sand.u32 $0x400, s22  }
0x1b: {  	s24 =	sor.u32 s29, s30  }
0x1c: {  	[tilespmem:s24+$0x1400] =	vst v1  }
0x1d: {  	s31 =	simm.s32 $0x2;
	v1 =	vld.idx.msk [tilespmem:v2+s2+$0x0], $0xffff  }
0x1e: {  	v2 =	vadd.s32 s31, v0;
	_ =	sdelay $0x3  }
0x1f: {  	[tilespmem:s24+$0x1480] =	vst v1  }
0x20: {  	s0 =	simm.s32 $0x3;
	v1 =	vld.idx.msk [tilespmem:v2+s2+$0x0], $0xffff  }
0x21: {  	v2 =	vadd.s32 s0, v0;
	_ =	sdelay $0x3  }
0x22: {  	[tilespmem:s24+$0x1500] =	vst v1  }
0x23: {  	s25 =	simm.s32 $0x4;
	v1 =	vld.idx.msk [tilespmem:v2+s2+$0x0], $0xffff  }
0x24: {  	v2 =	vadd.s32 s25, v0;
	_ =	sdelay $0x3  }
0x25: {  	[tilespmem:s24+$0x1580] =	vst v1  }
0x26: {  	s26 =	simm.s32 $0x5;
	v1 =	vld.idx.msk [tilespmem:v2+s2+$0x0], $0xffff  }
0x27: {  	v2 =	vadd.s32 s26, v0;
	_ =	sdelay $0x3  }
0x28: {  	[tilespmem:s24+$0x1600] =	vst v1  }
0x29: {  	s29 =	simm.s32 $0x6;
	v1 =	vld.idx.msk [tilespmem:v2+s2+$0x0], $0xffff  }
0x2a: {  	v2 =	vadd.s32 s29, v0;
	_ =	sdelay $0x3  }
0x2b: {  	[tilespmem:s24+$0x1680] =	vst v1  }
0x2c: {  	s30 =	simm.s32 $0x7;
	v1 =	vld.idx.msk [tilespmem:v2+s2+$0x0], $0xffff  }
0x2d: {  	v2 =	vadd.s32 s30, v0;
	_ =	sdelay $0x3  }
0x2e: {  	[tilespmem:s24+$0x1700] =	vst v1  }
0x2f: {  	s31 =	simm.s32 $0x8;
	v1 =	vld.idx.msk [tilespmem:v2+s2+$0x0], $0xffff  }
0x30: {  	v2 =	vadd.s32 s31, v0;
	_ =	sdelay $0x1  }
0x31: {  	s0 =	sor.u32 s22, s22  }
0x32: {  	s23 =	sor.u32 $0x380, s0  }
0x33: {  	[tilespmem:s23+$0x1400] =	vst v1  }
0x34: {  	s25 =	simm.s32 $0x9;
	v1 =	vld.idx.msk [tilespmem:v2+s2+$0x0], $0xffff  }
0x35: {  	v2 =	vadd.s32 s25, v0;
	_ =	sdelay $0x3  }
0x36: {  	[tilespmem:s24+$0x1C00] =	vst v1  }
0x37: {  	s26 =	simm.s32 $0xA;
	v1 =	vld.idx.msk [tilespmem:v2+s2+$0x0], $0xffff  }
0x38: {  	v2 =	vadd.s32 s26, v0;
	_ =	sdelay $0x3  }
0x39: {  	[tilespmem:s24+$0x1C80] =	vst v1  }
0x3a: {  	s29 =	simm.s32 $0xB;
	v1 =	vld.idx.msk [tilespmem:v2+s2+$0x0], $0xffff  }
0x3b: {  	v2 =	vadd.s32 s29, v0;
	_ =	sdelay $0x3  }
0x3c: {  	[tilespmem:s24+$0x1D00] =	vst v1  }
0x3d: {  	s30 =	simm.s32 $0xC;
	v1 =	vld.idx.msk [tilespmem:v2+s2+$0x0], $0xffff  }
0x3e: {  	v2 =	vadd.s32 s30, v0;
	_ =	sdelay $0x3  }
0x3f: {  	[tilespmem:s24+$0x1D80] =	vst v1  }
0x40: {  	s31 =	simm.s32 $0xD;
	v1 =	vld.idx.msk [tilespmem:v2+s2+$0x0], $0xffff  }
0x41: {  	v2 =	vadd.s32 s31, v0;
	_ =	sdelay $0x3  }
0x42: {  	[tilespmem:s24+$0x1E00] =	vst v1  }
0x43: {  	s0 =	simm.s32 $0xE;
	v1 =	vld.idx.msk [tilespmem:v2+s2+$0x0], $0xffff  }
0x44: {  	v2 =	vadd.s32 s0, v0;
	_ =	sdelay $0x3  }
0x45: {  	[tilespmem:s24+$0x1E80] =	vst v1  }
0x46: {  	s25 =	simm.s32 $0xF;
	v1 =	vld.idx.msk [tilespmem:v2+s2+$0x0], $0xffff  }
0x47: {  	v2 =	vadd.s32 s25, v0;
	_ =	sdelay $0x3  }
0x48: {  	[tilespmem:s24+$0x1F00] =	vst v1  }
0x49: {  	s26 =	simm.s32 $0x10;
	v1 =	vld.idx.msk [tilespmem:v2+s2+$0x0], $0xffff  }
0x4a: {  	v2 =	vadd.s32 s26, v0;
	_ =	sdelay $0x3  }
0x4b: {  	[tilespmem:s24+$0x1F80] =	vst v1  }
0x4c: {  	s29 =	simm.s32 $0x11;
	v1 =	vld.idx.msk [tilespmem:v2+s2+$0x0], $0xffff  }
0x4d: {  	v2 =	vadd.s32 s29, v0;
	_ =	sdelay $0x3  }
0x4e: {  	[tilespmem:s24+$0x2400] =	vst v1  }
0x4f: {  	s30 =	simm.s32 $0x12;
	v1 =	vld.idx.msk [tilespmem:v2+s2+$0x0], $0xffff  }
0x50: {  	v2 =	vadd.s32 s30, v0;
	_ =	sdelay $0x3  }
0x51: {  	[tilespmem:s24+$0x2480] =	vst v1  }
0x52: {  	s31 =	simm.s32 $0x13;
	v1 =	vld.idx.msk [tilespmem:v2+s2+$0x0], $0xffff  }
0x53: {  	v2 =	vadd.s32 s31, v0;
	_ =	sdelay $0x3  }
0x54: {  	s28 =	simm.s32 $0x140;
	[tilespmem:s24+$0x2500] =	vst v1  }
0x55: {  	s23 =	simm.s32 $0x153;
	s25 =	simm.s32 $0x0;
	s26 =	simm.s32 $0x293;
	v1 =	vld.idx.msk [tilespmem:v2+s2+$0x0], $0xffff  }
.LBB2_3:
0x56: {  	p0 =	sne.s32 s26, $0x12D3;
	v2 =	vadd.s32 s28, v0;
	_ =	sdelay $0x3  }
0x57: {  	[tilespmem:s24+$0x2580] =	vst v1  }
0x58: {  	v1 =	vld.idx.msk [tilespmem:v2+s2+$0x0], $0xffff  }
0x59: {  	s24 =	sadd.s32 $0xFFFFFFEE, s23  }
0x5a: {  	v2 =	vadd.s32 s24, v0  }
0x5b: {  	s22 =	sadd.s32 $0x80, s22;
	s25 =	sadd.s32 $0x10, s25  }
0x5c: {  	s28 =	sand.u32 $0x400, s22;
	s24 =	sand.u32 $0x70, s25  }
0x5d: {  	s24 =	sor.u32 s24, s28  }
0x5e: {  	[tilespmem:s24+$0x1400] =	vst v1  }
0x5f: {  	v1 =	vld.idx.msk [tilespmem:v2+s2+$0x0], $0xffff  }
0x60: {  	s28 =	sadd.s32 $0xFFFFFFEF, s23  }
0x61: {  	v2 =	vadd.s32 s28, v0;
	_ =	sdelay $0x3  }
0x62: {  	[tilespmem:s24+$0x1480] =	vst v1  }
0x63: {  	v1 =	vld.idx.msk [tilespmem:v2+s2+$0x0], $0xffff  }
0x64: {  	s28 =	sadd.s32 $0xFFFFFFF0, s23  }
0x65: {  	v2 =	vadd.s32 s28, v0;
	_ =	sdelay $0x3  }
0x66: {  	[tilespmem:s24+$0x1500] =	vst v1  }
0x67: {  	v1 =	vld.idx.msk [tilespmem:v2+s2+$0x0], $0xffff  }
0x68: {  	s28 =	sadd.s32 $0xFFFFFFF1, s23  }
0x69: {  	v2 =	vadd.s32 s28, v0;
	_ =	sdelay $0x3  }
0x6a: {  	[tilespmem:s24+$0x1580] =	vst v1  }
0x6b: {  	v1 =	vld.idx.msk [tilespmem:v2+s2+$0x0], $0xffff  }
0x6c: {  	s28 =	sadd.s32 $0xFFFFFFF2, s23  }
0x6d: {  	v2 =	vadd.s32 s28, v0;
	_ =	sdelay $0x3  }
0x6e: {  	[tilespmem:s24+$0x1600] =	vst v1  }
0x6f: {  	v1 =	vld.idx.msk [tilespmem:v2+s2+$0x0], $0xffff  }
0x70: {  	s28 =	sadd.s32 $0xFFFFFFF3, s23  }
0x71: {  	v2 =	vadd.s32 s28, v0;
	_ =	sdelay $0x3  }
0x72: {  	[tilespmem:s24+$0x1680] =	vst v1  }
0x73: {  	v1 =	vld.idx.msk [tilespmem:v2+s2+$0x0], $0xffff  }
0x74: {  	s28 =	sadd.s32 $0xFFFFFFF4, s23  }
0x75: {  	v2 =	vadd.s32 s28, v0;
	_ =	sdelay $0x3  }
0x76: {  	[tilespmem:s24+$0x1700] =	vst v1  }
0x77: {  	v1 =	vld.idx.msk [tilespmem:v2+s2+$0x0], $0xffff  }
0x78: {  	s28 =	sadd.s32 $0xFFFFFFF5, s23  }
0x79: {  	v2 =	vadd.s32 s28, v0;
	_ =	sdelay $0x1  }
0x7a: {  	s28 =	sor.u32 s22, s25  }
0x7b: {  	s28 =	sor.u32 $0x380, s28  }
0x7c: {  	[tilespmem:s28+$0x1400] =	vst v1  }
0x7d: {  	v1 =	vld.idx.msk [tilespmem:v2+s2+$0x0], $0xffff  }
0x7e: {  	s28 =	sadd.s32 $0xFFFFFFF6, s23  }
0x7f: {  	v2 =	vadd.s32 s28, v0;
	_ =	sdelay $0x3  }
0x80: {  	[tilespmem:s24+$0x1C00] =	vst v1  }
0x81: {  	v1 =	vld.idx.msk [tilespmem:v2+s2+$0x0], $0xffff  }
0x82: {  	s28 =	sadd.s32 $0xFFFFFFF7, s23  }
0x83: {  	v2 =	vadd.s32 s28, v0;
	_ =	sdelay $0x3  }
0x84: {  	[tilespmem:s24+$0x1C80] =	vst v1  }
0x85: {  	v1 =	vld.idx.msk [tilespmem:v2+s2+$0x0], $0xffff  }
0x86: {  	s28 =	sadd.s32 $0xFFFFFFF8, s23  }
0x87: {  	v2 =	vadd.s32 s28, v0;
	_ =	sdelay $0x3  }
0x88: {  	[tilespmem:s24+$0x1D00] =	vst v1  }
0x89: {  	v1 =	vld.idx.msk [tilespmem:v2+s2+$0x0], $0xffff  }
0x8a: {  	s28 =	sadd.s32 $0xFFFFFFF9, s23  }
0x8b: {  	v2 =	vadd.s32 s28, v0;
	_ =	sdelay $0x3  }
0x8c: {  	[tilespmem:s24+$0x1D80] =	vst v1  }
0x8d: {  	v1 =	vld.idx.msk [tilespmem:v2+s2+$0x0], $0xffff  }
0x8e: {  	s28 =	sadd.s32 $0xFFFFFFFA, s23  }
0x8f: {  	v2 =	vadd.s32 s28, v0;
	_ =	sdelay $0x3  }
0x90: {  	[tilespmem:s24+$0x1E00] =	vst v1  }
0x91: {  	v1 =	vld.idx.msk [tilespmem:v2+s2+$0x0], $0xffff  }
0x92: {  	s28 =	sadd.s32 $0xFFFFFFFB, s23  }
0x93: {  	v2 =	vadd.s32 s28, v0;
	_ =	sdelay $0x3  }
0x94: {  	[tilespmem:s24+$0x1E80] =	vst v1  }
0x95: {  	v1 =	vld.idx.msk [tilespmem:v2+s2+$0x0], $0xffff  }
0x96: {  	s28 =	sadd.s32 $0xFFFFFFFC, s23  }
0x97: {  	v2 =	vadd.s32 s28, v0;
	_ =	sdelay $0x3  }
0x98: {  	[tilespmem:s24+$0x1F00] =	vst v1  }
0x99: {  	v1 =	vld.idx.msk [tilespmem:v2+s2+$0x0], $0xffff  }
0x9a: {  	s28 =	sadd.s32 $0xFFFFFFFD, s23  }
0x9b: {  	v2 =	vadd.s32 s28, v0;
	_ =	sdelay $0x3  }
0x9c: {  	[tilespmem:s24+$0x1F80] =	vst v1  }
0x9d: {  	v1 =	vld.idx.msk [tilespmem:v2+s2+$0x0], $0xffff  }
0x9e: {  	s28 =	sadd.s32 $0xFFFFFFFE, s23  }
0x9f: {  	v2 =	vadd.s32 s28, v0;
	_ =	sdelay $0x3  }
0xa0: {  	[tilespmem:s24+$0x2400] =	vst v1  }
0xa1: {  	v1 =	vld.idx.msk [tilespmem:v2+s2+$0x0], $0xffff  }
0xa2: {  	s28 =	sadd.s32 $0xFFFFFFFF, s23  }
0xa3: {  	v2 =	vadd.s32 s28, v0;
	_ =	sdelay $0x3  }
0xa4: {  	[tilespmem:s24+$0x2480] =	vst v1  }
0xa5: {  	v1 =	vld.idx.msk [tilespmem:v2+s2+$0x0], $0xffff;
	_ =	sdelay $0x1  }
0xa6: {  	v2 =	vadd.s32 s23, v0;
	s23 =	smov.u32 s26;
	_ =	sdelay $0x1  }
.Ltmp0:
0xa7: {  	(pc) =	sbr.rel @p0 .LBB2_3-.Ltmp0, $4  }
0xa8: {  	_ = 	snop  }
0xa9: {  	[tilespmem:s24+$0x2500] =	vst v1  }
0xaa: {  	v1 =	vld.idx.msk [tilespmem:v2+s2+$0x0], $0xffff  }
0xab: {  	s26 =	sadd.s32 $0x140, s26;
	s28 =	sadd.s32 $0xFFFFFFED, s23  }
0xac: {  	v2 =	vadd.s32 s28, v0;
	_ =	sdelay $0x3  }
0xad: {  	[tilespmem:s24+$0x2580] =	vst v1  }
0xae: {  	s30 =	sadd.s32 $0xFFFFFFEE, s23;
	v1 =	vld.idx.msk [tilespmem:v2+s2+$0x0], $0xffff  }
0xaf: {  	v2 =	vadd.s32 s30, v0  }
0xb0: {  	s25 =	sadd.s32 $0x10, s25;
	s24 =	sadd.s32 $0x80, s22  }
0xb1: {  	s31 =	sand.u32 $0x70, s25;
	s26 =	sand.u32 $0x400, s24  }
0xb2: {  	s22 =	sor.u32 s31, s26  }
0xb3: {  	[tilespmem:s22+$0x1400] =	vst v1  }
0xb4: {  	s0 =	sadd.s32 $0xFFFFFFEF, s23;
	v1 =	vld.idx.msk [tilespmem:v2+s2+$0x0], $0xffff  }
0xb5: {  	v2 =	vadd.s32 s0, v0;
	_ =	sdelay $0x3  }
0xb6: {  	[tilespmem:s22+$0x1480] =	vst v1  }
0xb7: {  	s28 =	sadd.s32 $0xFFFFFFF0, s23;
	v1 =	vld.idx.msk [tilespmem:v2+s2+$0x0], $0xffff  }
0xb8: {  	v2 =	vadd.s32 s28, v0;
	_ =	sdelay $0x3  }
0xb9: {  	[tilespmem:s22+$0x1500] =	vst v1  }
0xba: {  	s29 =	sadd.s32 $0xFFFFFFF1, s23;
	v1 =	vld.idx.msk [tilespmem:v2+s2+$0x0], $0xffff  }
0xbb: {  	v2 =	vadd.s32 s29, v0;
	_ =	sdelay $0x3  }
0xbc: {  	[tilespmem:s22+$0x1580] =	vst v1  }
0xbd: {  	s30 =	sadd.s32 $0xFFFFFFF2, s23;
	v1 =	vld.idx.msk [tilespmem:v2+s2+$0x0], $0xffff  }
0xbe: {  	v2 =	vadd.s32 s30, v0;
	_ =	sdelay $0x3  }
0xbf: {  	[tilespmem:s22+$0x1600] =	vst v1  }
0xc0: {  	s31 =	sadd.s32 $0xFFFFFFF3, s23;
	v1 =	vld.idx.msk [tilespmem:v2+s2+$0x0], $0xffff  }
0xc1: {  	v2 =	vadd.s32 s31, v0;
	_ =	sdelay $0x3  }
0xc2: {  	[tilespmem:s22+$0x1680] =	vst v1  }
0xc3: {  	s0 =	sadd.s32 $0xFFFFFFF4, s23;
	v1 =	vld.idx.msk [tilespmem:v2+s2+$0x0], $0xffff  }
0xc4: {  	v2 =	vadd.s32 s0, v0;
	_ =	sdelay $0x3  }
0xc5: {  	[tilespmem:s22+$0x1700] =	vst v1  }
0xc6: {  	s28 =	sadd.s32 $0xFFFFFFF5, s23;
	v1 =	vld.idx.msk [tilespmem:v2+s2+$0x0], $0xffff  }
0xc7: {  	v2 =	vadd.s32 s28, v0;
	_ =	sdelay $0x1  }
0xc8: {  	s24 =	sor.u32 s24, s25  }
0xc9: {  	s24 =	sor.u32 $0x380, s24  }
0xca: {  	[tilespmem:s24+$0x1400] =	vst v1  }
0xcb: {  	s29 =	sadd.s32 $0xFFFFFFF6, s23;
	v1 =	vld.idx.msk [tilespmem:v2+s2+$0x0], $0xffff  }
0xcc: {  	v2 =	vadd.s32 s29, v0;
	_ =	sdelay $0x3  }
0xcd: {  	[tilespmem:s22+$0x1C00] =	vst v1  }
0xce: {  	s30 =	sadd.s32 $0xFFFFFFF7, s23;
	v1 =	vld.idx.msk [tilespmem:v2+s2+$0x0], $0xffff  }
0xcf: {  	v2 =	vadd.s32 s30, v0;
	_ =	sdelay $0x3  }
0xd0: {  	[tilespmem:s22+$0x1C80] =	vst v1  }
0xd1: {  	s31 =	sadd.s32 $0xFFFFFFF8, s23;
	v1 =	vld.idx.msk [tilespmem:v2+s2+$0x0], $0xffff  }
0xd2: {  	v2 =	vadd.s32 s31, v0;
	_ =	sdelay $0x3  }
0xd3: {  	[tilespmem:s22+$0x1D00] =	vst v1  }
0xd4: {  	s0 =	sadd.s32 $0xFFFFFFF9, s23;
	v1 =	vld.idx.msk [tilespmem:v2+s2+$0x0], $0xffff  }
0xd5: {  	v2 =	vadd.s32 s0, v0;
	_ =	sdelay $0x3  }
0xd6: {  	[tilespmem:s22+$0x1D80] =	vst v1  }
0xd7: {  	s25 =	sadd.s32 $0xFFFFFFFA, s23;
	v1 =	vld.idx.msk [tilespmem:v2+s2+$0x0], $0xffff  }
0xd8: {  	v2 =	vadd.s32 s25, v0;
	_ =	sdelay $0x3  }
0xd9: {  	[tilespmem:s22+$0x1E00] =	vst v1  }
0xda: {  	s26 =	sadd.s32 $0xFFFFFFFB, s23;
	v1 =	vld.idx.msk [tilespmem:v2+s2+$0x0], $0xffff  }
0xdb: {  	v2 =	vadd.s32 s26, v0;
	_ =	sdelay $0x3  }
0xdc: {  	[tilespmem:s22+$0x1E80] =	vst v1  }
0xdd: {  	s28 =	sadd.s32 $0xFFFFFFFC, s23;
	v1 =	vld.idx.msk [tilespmem:v2+s2+$0x0], $0xffff  }
0xde: {  	v2 =	vadd.s32 s28, v0;
	_ =	sdelay $0x3  }
0xdf: {  	[tilespmem:s22+$0x1F00] =	vst v1  }
0xe0: {  	s29 =	sadd.s32 $0xFFFFFFFD, s23;
	v1 =	vld.idx.msk [tilespmem:v2+s2+$0x0], $0xffff  }
0xe1: {  	v2 =	vadd.s32 s29, v0;
	_ =	sdelay $0x3  }
0xe2: {  	[tilespmem:s22+$0x1F80] =	vst v1  }
0xe3: {  	s30 =	sadd.s32 $0xFFFFFFFE, s23;
	v1 =	vld.idx.msk [tilespmem:v2+s2+$0x0], $0xffff  }
0xe4: {  	v2 =	vadd.s32 s30, v0;
	_ =	sdelay $0x3  }
0xe5: {  	[tilespmem:s22+$0x2400] =	vst v1  }
0xe6: {  	s31 =	sadd.s32 $0xFFFFFFFF, s23;
	v1 =	vld.idx.msk [tilespmem:v2+s2+$0x0], $0xffff  }
0xe7: {  	v2 =	vadd.s32 s31, v0;
	_ =	sdelay $0x3  }
0xe8: {  	[tilespmem:s22+$0x2480] =	vst v1  }
0xe9: {  	v1 =	vld.idx.msk [tilespmem:v2+s2+$0x0], $0xffff  }
0xea: {  	v2 =	vadd.s32 s23, v0;
	_ =	sdelay $0x3  }
0xeb: {  	[tilespmem:s22+$0x2500] =	vst v1  }
0xec: {  	v1 =	vld.idx.msk [tilespmem:v2+s2+$0x0], $0xffff  }
0xed: {  	s21 =	smul.u32 $0x18000, s21;
	_ =	sdelay $0x1  }
0xee: {  	s20 =	sadd.s32 $0x1, s20;
	s21 =	sor.u32 s7, s21  }
0xef: {  	p0 =	sne.s32 s20, $0xD;
	s21 =	sshrl.u32 s21, $0x3  }
.Ltmp1:
0xf0: {  	s21 =	sadd.s32 s5, s21;
	[tilespmem:s22+$0x2580] =	vst v1;
	(pc) =	sbr.rel @p0 .LBB2_2-.Ltmp1, $4  }
0xf1: {  	[hbm4b:s21+s11] =	stream.strided.scatter [tilespmem:s13], [sflag:$0x1], $0x1800, s12, s11, $0x38;
	[tilespmem:$0x1DB00] =	vst v63  }
0xf2: {  	_ =	swait.ge [sflag:s10], $0x1800  }
0xf3: {  	[sflag:s10] =	ssyncset.done $0x0  }
0xf4: {  	[sflag:s10] =	ssyncadd.s32 $0xFFFFE800  }
0xf5: {  	[bflag:$0x0] =	sbarrier.arrive $0xFFFF;
	s20 =	simm.s32 $0x0  }
.LBB2_6:
0xf6: {  	s21 =	sshll.u32 s20, $0x1  }
0xf7: {  	s21 =	sor.u32 s4, s21  }
0xf8: {  	s23 =	simm.s32 $0x0;
	s22 =	smul.u32 $0x18000, s21  }
.LBB2_7:
0xf9: {  	s24 =	sshll.u32 s23, $0xB  }
0xfa: {  	s24 =	sadd.s32 s22, s24  }
0xfb: {  	s24 =	sshrl.u32 s24, $0x3  }
0xfc: {  	s24 =	sadd.s32 s5, s24  }
0xfd: {  	[tilespmem:s14], [sflag:$0x1] =	stream.strided.gather [hbm4b:s24+s11], $0x1800, s12, s11, $0x38;
	[tilespmem:$0x1DB00] =	vst v63  }
0xfe: {  	s26 =	simm.s32 $0x0;
	_ =	swait.ge [sflag:s10], $0x1800  }
0xff: {  	s29 =	sand.u32 $0x70, s26;
	s0 =	sand.u32 $0x400, s26;
	[sflag:s10] =	ssyncset.done $0x0  }
0x100: {  	s24 =	sor.u32 s29, s0;
	[sflag:s10] =	ssyncadd.s32 $0xFFFFE800  }
0x101: {  	v1 =	vld [tilespmem:s24+$0x1B300];
	_ =	sdelay $0x1  }
0x102: {  	v2 =	vld [tilespmem:s24+$0x1B380];
	_ =	sdelay $0x1  }
0x103: {  	v3 =	vld [tilespmem:s24+$0x1B400];
	_ =	sdelay $0x1  }
0x104: {  	v4 =	vld [tilespmem:s24+$0x1B480]  }
0x105: {  	v5 =	vld [tilespmem:s24+$0x1B500]  }
0x106: {  	v1 =	vld.idx.msk [tilespmem:v1+s15+$0x0], $0xffff  }
0x107: {  	v6 =	vld [tilespmem:s24+$0x1B580]  }
0x108: {  	v2 =	vld.idx.msk [tilespmem:v2+s15+$0x0], $0xffff  }
0x109: {  	s25 =	sor.u32 s26, s26;
	v7 =	vld [tilespmem:s24+$0x1B600]  }
0x10a: {  	s25 =	sor.u32 $0x380, s25;
	v3 =	vld.idx.msk [tilespmem:v3+s15+$0x0], $0xffff  }
0x10b: {  	v8 =	vld [tilespmem:s25+$0x1B300];
	v1 =	vadd.f32 $0.0e+00, v1  }
0x10c: {  	v4 =	vld.idx.msk [tilespmem:v4+s15+$0x0], $0xffff  }
0x10d: {  	v9 =	vld [tilespmem:s24+$0x1BB00];
	v1 =	vadd.f32 v2, v1  }
0x10e: {  	v2 =	vld.idx.msk [tilespmem:v5+s15+$0x0], $0xffff  }
0x10f: {  	v48 =	vld [tilespmem:s24+$0x1BB80];
	v1 =	vadd.f32 v3, v1  }
0x110: {  	v3 =	vld.idx.msk [tilespmem:v6+s15+$0x0], $0xffff  }
0x111: {  	v49 =	vld [tilespmem:s24+$0x1BC00];
	v1 =	vadd.f32 v4, v1  }
0x112: {  	v50 =	vld.idx.msk [tilespmem:v7+s15+$0x0], $0xffff  }
0x113: {  	v51 =	vld [tilespmem:s24+$0x1BC80];
	v1 =	vadd.f32 v2, v1  }
0x114: {  	v2 =	vld.idx.msk [tilespmem:v8+s15+$0x0], $0xffff  }
0x115: {  	v52 =	vld [tilespmem:s24+$0x1BD00];
	v1 =	vadd.f32 v3, v1  }
0x116: {  	v3 =	vld.idx.msk [tilespmem:v9+s15+$0x0], $0xffff  }
0x117: {  	v53 =	vld [tilespmem:s24+$0x1BD80];
	v1 =	vadd.f32 v50, v1  }
0x118: {  	v54 =	vld.idx.msk [tilespmem:v48+s15+$0x0], $0xffff  }
0x119: {  	v55 =	vld [tilespmem:s24+$0x1BE00];
	v1 =	vadd.f32 v2, v1  }
0x11a: {  	v2 =	vld.idx.msk [tilespmem:v49+s15+$0x0], $0xffff  }
0x11b: {  	v56 =	vld [tilespmem:s24+$0x1BE80];
	v1 =	vadd.f32 v3, v1  }
0x11c: {  	v3 =	vld.idx.msk [tilespmem:v51+s15+$0x0], $0xffff  }
0x11d: {  	v57 =	vld [tilespmem:s24+$0x1C300];
	v1 =	vadd.f32 v54, v1  }
0x11e: {  	v58 =	vld.idx.msk [tilespmem:v52+s15+$0x0], $0xffff  }
0x11f: {  	v59 =	vld [tilespmem:s24+$0x1C380];
	v1 =	vadd.f32 v2, v1  }
0x120: {  	v2 =	vld.idx.msk [tilespmem:v53+s15+$0x0], $0xffff  }
0x121: {  	v60 =	vld [tilespmem:s24+$0x1C400];
	v1 =	vadd.f32 v3, v1  }
0x122: {  	v3 =	vld.idx.msk [tilespmem:v55+s15+$0x0], $0xffff  }
0x123: {  	v61 =	vld [tilespmem:s24+$0x1C480];
	v1 =	vadd.f32 v58, v1  }
0x124: {  	v62 =	vld.idx.msk [tilespmem:v56+s15+$0x0], $0xffff  }
0x125: {  	v1 =	vadd.f32 v2, v1  }
0x126: {  	v2 =	vld.idx.msk [tilespmem:v57+s15+$0x0], $0xffff  }
0x127: {  	v1 =	vadd.f32 v3, v1  }
0x128: {  	v3 =	vld.idx.msk [tilespmem:v59+s15+$0x0], $0xffff  }
0x129: {  	v1 =	vadd.f32 v62, v1  }
0x12a: {  	v63 =	vld.idx.msk [tilespmem:v60+s15+$0x0], $0xffff  }
0x12b: {  	v1 =	vadd.f32 v2, v1  }
0x12c: {  	v2 =	vld.idx.msk [tilespmem:v61+s15+$0x0], $0xffff  }
0x12d: {  	v1 =	vadd.f32 v3, v1  }
0x12e: {  	s25 =	sshll.u32 s23, $0x8  }
0x12f: {  	s24 =	sand.u32 $0x3FFFFF00, s25;
	v1 =	vadd.f32 v63, v1  }
0x130: {  	s28 =	simm.s32 $0x20;
	s26 =	sand.u32 $0x80, s26;
	s24 =	sadd.s32 $0x1CB00, s24  }
0x131: {  	s25 =	simm.s32 $0x10;
	s0 =	sadd.s32 s26, s24;
	s26 =	simm.s32 $0x80;
	v1 =	vadd.f32 v2, v1  }
0x132: {  	s30 =	sand.u32 $0x70, s25;
	s31 =	sand.u32 $0x400, s26;
	s29 =	sadd.s32 s29, s0  }
.LBB2_8:
0x133: {  	p0 =	sne.s32 s28, $0xF0;
	s31 =	sor.u32 s30, s31;
	[tilespmem:s29+$0x0] =	vst v1;
	s29 =	smov.u32 s30  }
0x134: {  	v1 =	vld [tilespmem:s31+$0x1B300];
	_ =	sdelay $0x1  }
0x135: {  	v2 =	vld [tilespmem:s31+$0x1B380];
	_ =	sdelay $0x1  }
0x136: {  	v3 =	vld [tilespmem:s31+$0x1B400];
	_ =	sdelay $0x1  }
0x137: {  	v4 =	vld [tilespmem:s31+$0x1B480]  }
0x138: {  	v5 =	vld [tilespmem:s31+$0x1B500]  }
0x139: {  	v1 =	vld.idx.msk [tilespmem:v1+s15+$0x0], $0xffff  }
0x13a: {  	v6 =	vld [tilespmem:s31+$0x1B580]  }
0x13b: {  	v2 =	vld.idx.msk [tilespmem:v2+s15+$0x0], $0xffff  }
0x13c: {  	s0 =	sor.u32 s26, s25;
	v7 =	vld [tilespmem:s31+$0x1B600]  }
0x13d: {  	s0 =	sor.u32 $0x380, s0;
	v3 =	vld.idx.msk [tilespmem:v3+s15+$0x0], $0xffff  }
0x13e: {  	v8 =	vld [tilespmem:s0+$0x1B300]  }
0x13f: {  	v1 =	vadd.f32 $0.0e+00, v1;
	v4 =	vld.idx.msk [tilespmem:v4+s15+$0x0], $0xffff  }
0x140: {  	v9 =	vld [tilespmem:s31+$0x1BB00]  }
0x141: {  	v1 =	vadd.f32 v2, v1;
	v2 =	vld.idx.msk [tilespmem:v5+s15+$0x0], $0xffff  }
0x142: {  	v5 =	vld [tilespmem:s31+$0x1BB80]  }
0x143: {  	v1 =	vadd.f32 v3, v1;
	v3 =	vld.idx.msk [tilespmem:v6+s15+$0x0], $0xffff  }
0x144: {  	v6 =	vld [tilespmem:s31+$0x1BC00]  }
0x145: {  	v1 =	vadd.f32 v4, v1;
	v4 =	vld.idx.msk [tilespmem:v7+s15+$0x0], $0xffff  }
0x146: {  	v7 =	vld [tilespmem:s31+$0x1BC80]  }
0x147: {  	v1 =	vadd.f32 v2, v1;
	v2 =	vld.idx.msk [tilespmem:v8+s15+$0x0], $0xffff  }
0x148: {  	v8 =	vld [tilespmem:s31+$0x1BD00]  }
0x149: {  	v1 =	vadd.f32 v3, v1;
	v3 =	vld.idx.msk [tilespmem:v9+s15+$0x0], $0xffff  }
0x14a: {  	v9 =	vld [tilespmem:s31+$0x1BD80]  }
0x14b: {  	v1 =	vadd.f32 v4, v1;
	v4 =	vld.idx.msk [tilespmem:v5+s15+$0x0], $0xffff  }
0x14c: {  	v5 =	vld [tilespmem:s31+$0x1BE00]  }
0x14d: {  	v1 =	vadd.f32 v2, v1;
	v2 =	vld.idx.msk [tilespmem:v6+s15+$0x0], $0xffff  }
0x14e: {  	v6 =	vld [tilespmem:s31+$0x1BE80]  }
0x14f: {  	v1 =	vadd.f32 v3, v1;
	v3 =	vld.idx.msk [tilespmem:v7+s15+$0x0], $0xffff  }
0x150: {  	v7 =	vld [tilespmem:s31+$0x1C300]  }
0x151: {  	v1 =	vadd.f32 v4, v1;
	v4 =	vld.idx.msk [tilespmem:v8+s15+$0x0], $0xffff  }
0x152: {  	v8 =	vld [tilespmem:s31+$0x1C380]  }
0x153: {  	v1 =	vadd.f32 v2, v1;
	v2 =	vld.idx.msk [tilespmem:v9+s15+$0x0], $0xffff  }
0x154: {  	v9 =	vld [tilespmem:s31+$0x1C400]  }
0x155: {  	v1 =	vadd.f32 v3, v1;
	v3 =	vld.idx.msk [tilespmem:v5+s15+$0x0], $0xffff  }
0x156: {  	v5 =	vld [tilespmem:s31+$0x1C480]  }
0x157: {  	v1 =	vadd.f32 v4, v1;
	v4 =	vld.idx.msk [tilespmem:v6+s15+$0x0], $0xffff;
	_ =	sdelay $0x1  }
0x158: {  	v1 =	vadd.f32 v2, v1;
	v2 =	vld.idx.msk [tilespmem:v7+s15+$0x0], $0xffff;
	_ =	sdelay $0x1  }
0x159: {  	v1 =	vadd.f32 v3, v1;
	v3 =	vld.idx.msk [tilespmem:v8+s15+$0x0], $0xffff;
	_ =	sdelay $0x1  }
0x15a: {  	v1 =	vadd.f32 v4, v1;
	v4 =	vld.idx.msk [tilespmem:v9+s15+$0x0], $0xffff;
	_ =	sdelay $0x1  }
0x15b: {  	v1 =	vadd.f32 v2, v1;
	v2 =	vld.idx.msk [tilespmem:v5+s15+$0x0], $0xffff;
	_ =	sdelay $0x1  }
0x15c: {  	v1 =	vadd.f32 v3, v1  }
.Ltmp2:
0x15d: {  	(pc) =	sbr.rel @p0 .LBB2_8-.Ltmp2, $4  }
0x15e: {  	v1 =	vadd.f32 v4, v1  }
0x15f: {  	s0 =	sand.u32 $0x80, s25;
	s25 =	smov.u32 s28  }
0x160: {  	s30 =	sand.u32 $0x70, s28;
	s26 =	sadd.s32 $0x80, s26;
	s0 =	sadd.s32 s0, s24;
	v1 =	vadd.f32 v2, v1  }
0x161: {  	s28 =	sadd.s32 $0x10, s28;
	s29 =	sadd.s32 s29, s0;
	s31 =	sand.u32 $0x400, s26  }
0x162: {  	s0 =	sor.u32 s30, s31;
	[tilespmem:s29+$0x0] =	vst v1  }
0x163: {  	v1 =	vld [tilespmem:s0+$0x1B300];
	_ =	sdelay $0x1  }
0x164: {  	v2 =	vld [tilespmem:s0+$0x1B380];
	_ =	sdelay $0x1  }
0x165: {  	v3 =	vld [tilespmem:s0+$0x1B400];
	_ =	sdelay $0x1  }
0x166: {  	v4 =	vld [tilespmem:s0+$0x1B480]  }
0x167: {  	v5 =	vld [tilespmem:s0+$0x1B500]  }
0x168: {  	v1 =	vld.idx.msk [tilespmem:v1+s15+$0x0], $0xffff  }
0x169: {  	v6 =	vld [tilespmem:s0+$0x1B580]  }
0x16a: {  	v2 =	vld.idx.msk [tilespmem:v2+s15+$0x0], $0xffff  }
0x16b: {  	s26 =	sor.u32 s26, s25;
	v7 =	vld [tilespmem:s0+$0x1B600]  }
0x16c: {  	s26 =	sor.u32 $0x380, s26;
	v3 =	vld.idx.msk [tilespmem:v3+s15+$0x0], $0xffff  }
0x16d: {  	v8 =	vld [tilespmem:s26+$0x1B300];
	v1 =	vadd.f32 $0.0e+00, v1  }
0x16e: {  	v4 =	vld.idx.msk [tilespmem:v4+s15+$0x0], $0xffff  }
0x16f: {  	v9 =	vld [tilespmem:s0+$0x1BB00];
	v1 =	vadd.f32 v2, v1  }
0x170: {  	v2 =	vld.idx.msk [tilespmem:v5+s15+$0x0], $0xffff  }
0x171: {  	v48 =	vld [tilespmem:s0+$0x1BB80];
	v1 =	vadd.f32 v3, v1  }
0x172: {  	v3 =	vld.idx.msk [tilespmem:v6+s15+$0x0], $0xffff  }
0x173: {  	v49 =	vld [tilespmem:s0+$0x1BC00];
	v1 =	vadd.f32 v4, v1  }
0x174: {  	v50 =	vld.idx.msk [tilespmem:v7+s15+$0x0], $0xffff  }
0x175: {  	v51 =	vld [tilespmem:s0+$0x1BC80];
	v1 =	vadd.f32 v2, v1  }
0x176: {  	v2 =	vld.idx.msk [tilespmem:v8+s15+$0x0], $0xffff  }
0x177: {  	v52 =	vld [tilespmem:s0+$0x1BD00];
	v1 =	vadd.f32 v3, v1  }
0x178: {  	v3 =	vld.idx.msk [tilespmem:v9+s15+$0x0], $0xffff  }
0x179: {  	v53 =	vld [tilespmem:s0+$0x1BD80];
	v1 =	vadd.f32 v50, v1  }
0x17a: {  	v54 =	vld.idx.msk [tilespmem:v48+s15+$0x0], $0xffff  }
0x17b: {  	v55 =	vld [tilespmem:s0+$0x1BE00];
	v1 =	vadd.f32 v2, v1  }
0x17c: {  	v2 =	vld.idx.msk [tilespmem:v49+s15+$0x0], $0xffff  }
0x17d: {  	v56 =	vld [tilespmem:s0+$0x1BE80];
	v1 =	vadd.f32 v3, v1  }
0x17e: {  	v3 =	vld.idx.msk [tilespmem:v51+s15+$0x0], $0xffff  }
0x17f: {  	v57 =	vld [tilespmem:s0+$0x1C300];
	v1 =	vadd.f32 v54, v1  }
0x180: {  	v58 =	vld.idx.msk [tilespmem:v52+s15+$0x0], $0xffff  }
0x181: {  	v59 =	vld [tilespmem:s0+$0x1C380];
	v1 =	vadd.f32 v2, v1  }
0x182: {  	v2 =	vld.idx.msk [tilespmem:v53+s15+$0x0], $0xffff  }
0x183: {  	v60 =	vld [tilespmem:s0+$0x1C400];
	v1 =	vadd.f32 v3, v1  }
0x184: {  	v3 =	vld.idx.msk [tilespmem:v55+s15+$0x0], $0xffff  }
0x185: {  	v61 =	vld [tilespmem:s0+$0x1C480];
	v1 =	vadd.f32 v58, v1  }
0x186: {  	v62 =	vld.idx.msk [tilespmem:v56+s15+$0x0], $0xffff  }
0x187: {  	v1 =	vadd.f32 v2, v1  }
0x188: {  	v2 =	vld.idx.msk [tilespmem:v57+s15+$0x0], $0xffff  }
0x189: {  	v1 =	vadd.f32 v3, v1  }
0x18a: {  	v3 =	vld.idx.msk [tilespmem:v59+s15+$0x0], $0xffff  }
0x18b: {  	v1 =	vadd.f32 v62, v1  }
0x18c: {  	v63 =	vld.idx.msk [tilespmem:v60+s15+$0x0], $0xffff  }
0x18d: {  	v1 =	vadd.f32 v2, v1  }
0x18e: {  	v2 =	vld.idx.msk [tilespmem:v61+s15+$0x0], $0xffff  }
0x18f: {  	s23 =	sadd.s32 $0x1, s23;
	v1 =	vadd.f32 v3, v1  }
0x190: {  	p0 =	sne.s32 s23, $0x10  }
.Ltmp3:
0x191: {  	v1 =	vadd.f32 v63, v1;
	(pc) =	sbr.rel @p0 .LBB2_7-.Ltmp3, $4  }
0x192: {  	s31 =	sand.u32 $0x80, s25  }
0x193: {  	s0 =	sadd.s32 s31, s24;
	v1 =	vadd.f32 v2, v1  }
0x194: {  	s0 =	sadd.s32 s30, s0  }
0x195: {  	[tilespmem:s0+$0x0] =	vst v1  }
0x196: {  	s20 =	sadd.s32 $0x1, s20  }
0x197: {  	s0 =	sshll.u32 s21, $0xD;
	p0 =	sne.s32 s20, $0xD  }
.Ltmp4:
0x198: {  	s0 =	sadd.s32 s0, s8;
	(pc) =	sbr.rel @p0 .LBB2_6-.Ltmp4, $4  }
0x199: {  	[hbm4b:s0+s16] =	stream.strided.scatter [tilespmem:s18], [sflag:$0x1], $0x1000, s17, s16, $0x38;
	[tilespmem:$0x1DB00] =	vst v63  }
0x19a: {  	_ =	swait.ge [sflag:s10], $0x1000  }
0x19b: {  	[sflag:s10] =	ssyncset.done $0x0  }
0x19c: {  	[sflag:s10] =	ssyncadd.s32 $0xFFFFF000  }
0x19d: {  	s19 =	sadd.s32 $0x1, s19  }
0x19e: {  	p0 =	sne.s32 s19, s9  }
.Ltmp5:
0x19f: {  	_ = 	snop;
	(pc) =	sbr.rel @p0 .LBB2_1-.Ltmp5, $1  }
0x1a0: {  	_ =	sdelay $0x3  }
0x1a1: {  	_ =	sfence.sel $0x180000  }
0x1a2: {  	[bflag:$0x0] =	sbarrier.arrive $0xFFFF  }
0x1a3: {  	_ =	strace $0x90000047  }
0x1a4: {  	[bflag:$0x2] =	sbarrier.arrive $0xFFFF  }
0x1a5: {  	p0 =	sne.s32 s3, $0x0;
	s0 =	rddreg [dreg:$0x3]  }
0x1a6: {  	s0 =	sadd.s32 @!p0 $0x100000, s0  }
0x1a7: {  	[sflag:s0] =	ssyncadd.tile.s32 @!p0 $0x1;
	_ =	shalt  }
.Lfunc_end2:
_tile_overlayer_lowered:
.L_overlay_start_2:
0x1a8: {  	(tag) =	ssettag $0x2  }
0x1a9: {  	s0 =	rddreg [dreg:$0x0];
	s2 =	stileid.u32  }
0x1aa: {  	s1 =	rddreg [dreg:$0x1];
	p0 =	sne.s32 s2, $0x0  }
0x1ab: {  	s3 =	rddreg [dreg:$0x2];
	[bflag:$0x3] =	sbarrier.arrive $0xFFFF;
	s2 =	simm.s32 @!p0 $0x1C01  }
0x1ac: {  	[timem:s3], [sflag:s2] =	dma.local @!p0 [hbm:s0], s1  }
0x1ad: {  	s0 =	simm.s32 @!p0 $0x1  }
0x1ae: {  	_ =	swait.ge @!p0 [sflag:s0], s1  }
0x1af: {  	s1 =	ssub.s32 @!p0 $0x0, s1;
	[sflag:s0] =	ssyncset.done @!p0 $0x0  }
0x1b0: {  	[sflag:s0] =	ssyncadd.s32 @!p0 s1  }
0x1b1: {  	[bflag:$0x3] =	sbarrier.arrive $0xFFFF  }
0x1b2: {  	_ =	shalt  }

</sc_bundles>
